<compile_context>
chip_gen: v7x
topology: tpu7x:2x2x1
jax: 0.10.2.dev20260603
libtpu: 0.0.44.dev20260713+nightly
codegen_flags: <defaults>
</compile_context>

<pallas_src>
import functools

import jax
import jax.numpy as jnp
from jax import lax
from jax.experimental import pallas as pl
from jax.experimental.pallas import tpu as pltpu
from jax.experimental.pallas import tpu_sc as plsc

VOCAB = 256
N_BLOCKS = 4
BLOCK_ROWS = 64
DIM = 64
B, L = 1024, 20
N_TOK = B * L

_info = plsc.get_sparse_core_info()
_NC, _NS, _LANES = _info.num_cores, _info.num_subcores, _info.num_lanes
_NW = _NC * _NS
_TOK_PER_W = N_TOK // _NW


def _make_sc_kernel():
    mesh = plsc.VectorSubcoreMesh(core_axis_name="c", subcore_axis_name="s")

    @functools.partial(
        pl.kernel,
        mesh=mesh,
        out_type=jax.ShapeDtypeStruct((B, L, DIM), jnp.float32),
        compiler_params=pltpu.CompilerParams(use_tc_tiling_on_sc=False),
        scratch_types=[
            pltpu.VMEM((_TOK_PER_W,), jnp.int32),
            pltpu.VMEM((_TOK_PER_W, DIM), jnp.float32),
            pltpu.SemaphoreType.DMA,
        ],
    )
    def sc_kernel(src_hbm, table_hbm, out_hbm, idx_v, rows_v, sem):
        wid = lax.axis_index("s") * _NC + lax.axis_index("c")
        base = wid * _TOK_PER_W
        pltpu.sync_copy(src_hbm.at[pl.ds(base, _TOK_PER_W)], idx_v)
        pltpu.async_copy(table_hbm.at[idx_v], rows_v, sem).wait()
        rows_per_w = B // _NW
        bbase = wid * rows_per_w
        copies = [
            pltpu.async_copy(rows_v.at[pl.ds(k * L, L)], out_hbm.at[bbase + k], sem)
            for k in range(rows_per_w)
        ]
        for c in copies:
            c.wait()

    return sc_kernel


_sc_kernel = _make_sc_kernel()


def kernel(src, block_assign, local_assign, W0, W1, W2, W3):
    table = jnp.concatenate([W0, W1, W2, W3], axis=0)
    row_map = block_assign * BLOCK_ROWS + local_assign
    table = table.at[row_map].get(mode="promise_in_bounds", unique_indices=True)
    flat_src = src.reshape(N_TOK)
    return _sc_kernel(flat_src, table)

# --- scband reference (transcript-rebuilt; emitter-appended) ---
"""Pipeline reference for scband-block-wise-embedding-72335839199518 (READ-ONLY COPY).

The authoritative reference and input builder live on the scoring server;
editing this copy changes nothing except your own understanding.
"""

import jax, jax.numpy as jnp
import numpy as np

VOCAB = 256
N_BLOCKS = 4
BLOCK_ROWS = 64
DIM = 64
B, L = 1024, 20


def setup_inputs(seed: int = 0) -> dict:
    key = jax.random.key(seed)
    k1, k2, k3, k4, k5 = jax.random.split(key, 5)
    src = jax.random.randint(k1, (B, L), 0, VOCAB, dtype=jnp.int32)
    # buffers derived from `assignment` init kwarg: idx -> (idx // 64, idx % 64)
    block_assign = jnp.arange(VOCAB, dtype=jnp.int32) // BLOCK_ROWS
    local_assign = jnp.arange(VOCAB, dtype=jnp.int32) % BLOCK_ROWS
    # per-block embedding tables (nn.Embedding default init ~ N(0, 1))
    W0 = jax.random.normal(k2, (BLOCK_ROWS, DIM), dtype=jnp.float32)
    W1 = jax.random.normal(k3, (BLOCK_ROWS, DIM), dtype=jnp.float32)
    W2 = jax.random.normal(k4, (BLOCK_ROWS, DIM), dtype=jnp.float32)
    W3 = jax.random.normal(k5, (BLOCK_ROWS, DIM), dtype=jnp.float32)
    return {"src": src, "block_assign": block_assign, "local_assign": local_assign,
            "W0": W0, "W1": W1, "W2": W2, "W3": W3}


def reference(src, block_assign, local_assign, W0, W1, W2, W3):
    # Faithful to BlockWiseEmbedding.forward with padding_idx == -1 (no padding vec):
    # for each token idx: vec = blocks[block_assignment[idx]].weight[local_assignment[idx]]
    # All blocks have identical shape, so the per-block gather-and-restitch is exactly
    # a 2-level gather on the stacked block tables.
    tables = jnp.stack([W0, W1, W2, W3])            # [N_BLOCKS, BLOCK_ROWS, DIM]
    b = jnp.take(block_assign, src)                 # [B, L]
    l = jnp.take(local_assign, src)                 # [B, L]
    out = tables[b, l]                              # [B, L, DIM]
    return out

if __name__ == "__main__":
    import jax
    _d = setup_inputs()
    print(jax.jit(kernel)(*tuple(_d.values())))

</pallas_src>

<mosaic_0001>
#map = affine_map<(d0, d1) -> (0)>
#map1 = affine_map<(d0, d1) -> (0, 0)>
#map2 = affine_map<(d0, d1) -> (0, 0, 0)>
module attributes {stable_mosaic.version = 14 : i64} {
  func.func @sc_kernel(%arg0: i32, %arg1: i32, %arg2: memref<20480xi32, #tpu.memory_space<hbm>>, %arg3: memref<256x64xf32, #tpu.memory_space<hbm>>, %arg4: memref<1024x20x64xf32, #tpu.memory_space<hbm>>, %arg5: memref<640xi32, #tpu.memory_space<vmem>>, %arg6: memref<640x64xf32, #tpu.memory_space<vmem>>, %arg7: memref<!tpu.dma_semaphore, #tpu.memory_space<semaphore_mem>>) attributes {dimension_semantics = [#tpu.dimension_semantics<core_parallel>, #tpu.dimension_semantics<subcore_parallel>], iteration_bounds = array<i64: 2, 16>, scalar_prefetch = 0 : i64, scratch_operands = 3 : i64, tpu.core_type = #tpu.core_type<sc_vector_subcore>, window_params = [{transform_indices = #map}, {transform_indices = #map1}, {transform_indices = #map2}]} {
    %mul3A = arith.constant 2 : i32
    %mul3A_0 = arith.muli %arg1, %mul3A : i32
    %add3A = arith.addi %mul3A_0, %arg0 : i32
    %mul3A_1 = arith.constant 640 : i32
    %mul3A_2 = arith.muli %add3A, %mul3A_1 : i32
    "tpu.region"() ({
      %run_scoped3A = tpu.sem_alloc : memref<!tpu.dma_semaphore, #tpu.memory_space<semaphore_mem>>
      %dma_start3A_969 = tpu.memref_slice %arg2[%mul3A_2] : memref<20480xi32, #tpu.memory_space<hbm>> -> memref<640xi32, #tpu.memory_space<hbm>>
      %dma_start3A_970 = tpu.memref_slice %arg2[%mul3A_2] : memref<20480xi32, #tpu.memory_space<hbm>> -> memref<640xi32, #tpu.memory_space<hbm>>
      tpu.enqueue_dma source(%dma_start3A_970 : memref<640xi32, #tpu.memory_space<hbm>>) target(%arg5 : memref<640xi32, #tpu.memory_space<vmem>>) target_semaphore(%run_scoped3A : memref<!tpu.dma_semaphore, #tpu.memory_space<semaphore_mem>>)
      %dma_wait3A_971 = tpu.memref_slice %arg2[%mul3A_2] : memref<20480xi32, #tpu.memory_space<hbm>> -> memref<640xi32, #tpu.memory_space<hbm>>
      %dma_wait3A_972 = tpu.memref_slice %arg2[%mul3A_2] : memref<20480xi32, #tpu.memory_space<hbm>> -> memref<640xi32, #tpu.memory_space<hbm>>
      tpu.wait_dma2 semaphore(%run_scoped3A : memref<!tpu.dma_semaphore, #tpu.memory_space<semaphore_mem>>) src(%dma_wait3A_972 : memref<640xi32, #tpu.memory_space<hbm>>) dst(%arg5 : memref<640xi32, #tpu.memory_space<vmem>>)
      tpu.yield
    }) : () -> ()
    %dma_start3A = arith.constant 0 : i32
    %dma_start3A_3 = arith.constant 0 : i32
    %dma_start3A_4 = tpu.memref_slice %arg3[%dma_start3A, %dma_start3A_3] : memref<256x64xf32, #tpu.memory_space<hbm>> -> memref<256x64xf32, #tpu.memory_space<hbm>>
    tpu.enqueue_indirect_dma source(%dma_start3A_4 : memref<256x64xf32, #tpu.memory_space<hbm>>) target(%arg6 : memref<640x64xf32, #tpu.memory_space<vmem>>) offsets(%arg5 : memref<640xi32, #tpu.memory_space<vmem>>) semaphore(%arg7 : memref<!tpu.dma_semaphore, #tpu.memory_space<semaphore_mem>>)
    %dma_wait3A = arith.constant 0 : i32
    %dma_wait3A_5 = arith.constant 0 : i32
    %dma_wait3A_6 = tpu.memref_slice %arg3[%dma_wait3A, %dma_wait3A_5] : memref<256x64xf32, #tpu.memory_space<hbm>> -> memref<256x64xf32, #tpu.memory_space<hbm>>
    tpu.wait_indirect_dma semaphore(%arg7 : memref<!tpu.dma_semaphore, #tpu.memory_space<semaphore_mem>>) src(%dma_wait3A_6 : memref<256x64xf32, #tpu.memory_space<hbm>>) dst(%arg6 : memref<640x64xf32, #tpu.memory_space<vmem>>)
    %mul3A_7 = arith.constant 32 : i32
    %mul3A_8 = arith.muli %add3A, %mul3A_7 : i32
    %add3A_9 = arith.constant 0 : i32
    %add3A_10 = arith.addi %mul3A_8, %add3A_9 : i32
    %dma_start3A_11 = arith.constant 0 : i32
    %dma_start3A_12 = arith.constant 0 : i32
    %dma_start3A_13 = tpu.memref_slice %arg6[%dma_start3A_11, %dma_start3A_12] : memref<640x64xf32, #tpu.memory_space<vmem>> -> memref<20x64xf32, #tpu.memory_space<vmem>>
    %dma_start3A_14 = arith.constant 0 : i32
    %dma_start3A_15 = arith.constant 0 : i32
    %dma_start3A_16 = tpu.memref_slice %arg4[%add3A_10, %dma_start3A_14, %dma_start3A_15] : memref<1024x20x64xf32, #tpu.memory_space<hbm>> -> memref<1x20x64xf32, #tpu.memory_space<hbm>>
    %dma_start3A_17 = tpu.memref_squeeze %dma_start3A_16 : memref<1x20x64xf32, #tpu.memory_space<hbm>> -> memref<20x64xf32, #tpu.memory_space<hbm>>
    %dma_start3A_18 = arith.constant 0 : i32
    %dma_start3A_19 = arith.constant 0 : i32
    %dma_start3A_20 = tpu.memref_slice %arg4[%add3A_10, %dma_start3A_18, %dma_start3A_19] : memref<1024x20x64xf32, #tpu.memory_space<hbm>> -> memref<1x20x64xf32, #tpu.memory_space<hbm>>
    %dma_start3A_21 = tpu.memref_squeeze %dma_start3A_20 : memref<1x20x64xf32, #tpu.memory_space<hbm>> -> memref<20x64xf32, #tpu.memory_space<hbm>>
    %dma_start3A_22 = arith.constant 0 : i32
    %dma_start3A_23 = arith.constant 0 : i32
    %dma_start3A_24 = tpu.memref_slice %arg6[%dma_start3A_22, %dma_start3A_23] : memref<640x64xf32, #tpu.memory_space<vmem>> -> memref<20x64xf32, #tpu.memory_space<vmem>>
    tpu.enqueue_dma source(%dma_start3A_24 : memref<20x64xf32, #tpu.memory_space<vmem>>) target(%dma_start3A_21 : memref<20x64xf32, #tpu.memory_space<hbm>>) target_semaphore(%arg7 : memref<!tpu.dma_semaphore, #tpu.memory_space<semaphore_mem>>)
    %add3A_25 = arith.constant 1 : i32
    %add3A_26 = arith.addi %mul3A_8, %add3A_25 : i32
    %dma_start3A_27 = arith.constant 20 : i32
    %dma_start3A_28 = arith.constant 0 : i32
    %dma_start3A_29 = tpu.memref_slice %arg6[%dma_start3A_27, %dma_start3A_28] : memref<640x64xf32, #tpu.memory_space<vmem>> -> memref<20x64xf32, #tpu.memory_space<vmem>>
    %dma_start3A_30 = arith.constant 0 : i32
    %dma_start3A_31 = arith.constant 0 : i32
    %dma_start3A_32 = tpu.memref_slice %arg4[%add3A_26, %dma_start3A_30, %dma_start3A_31] : memref<1024x20x64xf32, #tpu.memory_space<hbm>> -> memref<1x20x64xf32, #tpu.memory_space<hbm>>
    %dma_start3A_33 = tpu.memref_squeeze %dma_start3A_32 : memref<1x20x64xf32, #tpu.memory_space<hbm>> -> memref<20x64xf32, #tpu.memory_space<hbm>>
    %dma_start3A_34 = arith.constant 0 : i32
    %dma_start3A_35 = arith.constant 0 : i32
    %dma_start3A_36 = tpu.memref_slice %arg4[%add3A_26, %dma_start3A_34, %dma_start3A_35] : memref<1024x20x64xf32, #tpu.memory_space<hbm>> -> memref<1x20x64xf32, #tpu.memory_space<hbm>>
    %dma_start3A_37 = tpu.memref_squeeze %dma_start3A_36 : memref<1x20x64xf32, #tpu.memory_space<hbm>> -> memref<20x64xf32, #tpu.memory_space<hbm>>
    %dma_start3A_38 = arith.constant 20 : i32
    %dma_start3A_39 = arith.constant 0 : i32
    %dma_start3A_40 = tpu.memref_slice %arg6[%dma_start3A_38, %dma_start3A_39] : memref<640x64xf32, #tpu.memory_space<vmem>> -> memref<20x64xf32, #tpu.memory_space<vmem>>
    tpu.enqueue_dma source(%dma_start3A_40 : memref<20x64xf32, #tpu.memory_space<vmem>>) target(%dma_start3A_37 : memref<20x64xf32, #tpu.memory_space<hbm>>) target_semaphore(%arg7 : memref<!tpu.dma_semaphore, #tpu.memory_space<semaphore_mem>>)
    %add3A_41 = arith.constant 2 : i32
    %add3A_42 = arith.addi %mul3A_8, %add3A_41 : i32
    %dma_start3A_43 = arith.constant 40 : i32
    %dma_start3A_44 = arith.constant 0 : i32
    %dma_start3A_45 = tpu.memref_slice %arg6[%dma_start3A_43, %dma_start3A_44] : memref<640x64xf32, #tpu.memory_space<vmem>> -> memref<20x64xf32, #tpu.memory_space<vmem>>
    %dma_start3A_46 = arith.constant 0 : i32
    %dma_start3A_47 = arith.constant 0 : i32
    %dma_start3A_48 = tpu.memref_slice %arg4[%add3A_42, %dma_start3A_46, %dma_start3A_47] : memref<1024x20x64xf32, #tpu.memory_space<hbm>> -> memref<1x20x64xf32, #tpu.memory_space<hbm>>
    %dma_start3A_49 = tpu.memref_squeeze %dma_start3A_48 : memref<1x20x64xf32, #tpu.memory_space<hbm>> -> memref<20x64xf32, #tpu.memory_space<hbm>>
    %dma_start3A_50 = arith.constant 0 : i32
    %dma_start3A_51 = arith.constant 0 : i32
    %dma_start3A_52 = tpu.memref_slice %arg4[%add3A_42, %dma_start3A_50, %dma_start3A_51] : memref<1024x20x64xf32, #tpu.memory_space<hbm>> -> memref<1x20x64xf32, #tpu.memory_space<hbm>>
    %dma_start3A_53 = tpu.memref_squeeze %dma_start3A_52 : memref<1x20x64xf32, #tpu.memory_space<hbm>> -> memref<20x64xf32, #tpu.memory_space<hbm>>
    %dma_start3A_54 = arith.constant 40 : i32
    %dma_start3A_55 = arith.constant 0 : i32
    %dma_start3A_56 = tpu.memref_slice %arg6[%dma_start3A_54, %dma_start3A_55] : memref<640x64xf32, #tpu.memory_space<vmem>> -> memref<20x64xf32, #tpu.memory_space<vmem>>
    tpu.enqueue_dma source(%dma_start3A_56 : memref<20x64xf32, #tpu.memory_space<vmem>>) target(%dma_start3A_53 : memref<20x64xf32, #tpu.memory_space<hbm>>) target_semaphore(%arg7 : memref<!tpu.dma_semaphore, #tpu.memory_space<semaphore_mem>>)
    %add3A_57 = arith.constant 3 : i32
    %add3A_58 = arith.addi %mul3A_8, %add3A_57 : i32
    %dma_start3A_59 = arith.constant 60 : i32
    %dma_start3A_60 = arith.constant 0 : i32
    %dma_start3A_61 = tpu.memref_slice %arg6[%dma_start3A_59, %dma_start3A_60] : memref<640x64xf32, #tpu.memory_space<vmem>> -> memref<20x64xf32, #tpu.memory_space<vmem>>
    %dma_start3A_62 = arith.constant 0 : i32
    %dma_start3A_63 = arith.constant 0 : i32
    %dma_start3A_64 = tpu.memref_slice %arg4[%add3A_58, %dma_start3A_62, %dma_start3A_63] : memref<1024x20x64xf32, #tpu.memory_space<hbm>> -> memref<1x20x64xf32, #tpu.memory_space<hbm>>
    %dma_start3A_65 = tpu.memref_squeeze %dma_start3A_64 : memref<1x20x64xf32, #tpu.memory_space<hbm>> -> memref<20x64xf32, #tpu.memory_space<hbm>>
    %dma_start3A_66 = arith.constant 0 : i32
    %dma_start3A_67 = arith.constant 0 : i32
    %dma_start3A_68 = tpu.memref_slice %arg4[%add3A_58, %dma_start3A_66, %dma_start3A_67] : memref<1024x20x64xf32, #tpu.memory_space<hbm>> -> memref<1x20x64xf32, #tpu.memory_space<hbm>>
    %dma_start3A_69 = tpu.memref_squeeze %dma_start3A_68 : memref<1x20x64xf32, #tpu.memory_space<hbm>> -> memref<20x64xf32, #tpu.memory_space<hbm>>
    %dma_start3A_70 = arith.constant 60 : i32
    %dma_start3A_71 = arith.constant 0 : i32
    %dma_start3A_72 = tpu.memref_slice %arg6[%dma_start3A_70, %dma_start3A_71] : memref<640x64xf32, #tpu.memory_space<vmem>> -> memref<20x64xf32, #tpu.memory_space<vmem>>
    tpu.enqueue_dma source(%dma_start3A_72 : memref<20x64xf32, #tpu.memory_space<vmem>>) target(%dma_start3A_69 : memref<20x64xf32, #tpu.memory_space<hbm>>) target_semaphore(%arg7 : memref<!tpu.dma_semaphore, #tpu.memory_space<semaphore_mem>>)
    %add3A_73 = arith.constant 4 : i32
    %add3A_74 = arith.addi %mul3A_8, %add3A_73 : i32
    %dma_start3A_75 = arith.constant 80 : i32
    %dma_start3A_76 = arith.constant 0 : i32
    %dma_start3A_77 = tpu.memref_slice %arg6[%dma_start3A_75, %dma_start3A_76] : memref<640x64xf32, #tpu.memory_space<vmem>> -> memref<20x64xf32, #tpu.memory_space<vmem>>
    %dma_start3A_78 = arith.constant 0 : i32
    %dma_start3A_79 = arith.constant 0 : i32
    %dma_start3A_80 = tpu.memref_slice %arg4[%add3A_74, %dma_start3A_78, %dma_start3A_79] : memref<1024x20x64xf32, #tpu.memory_space<hbm>> -> memref<1x20x64xf32, #tpu.memory_space<hbm>>
    %dma_start3A_81 = tpu.memref_squeeze %dma_start3A_80 : memref<1x20x64xf32, #tpu.memory_space<hbm>> -> memref<20x64xf32, #tpu.memory_space<hbm>>
    %dma_start3A_82 = arith.constant 0 : i32
    %dma_start3A_83 = arith.constant 0 : i32
    %dma_start3A_84 = tpu.memref_slice %arg4[%add3A_74, %dma_start3A_82, %dma_start3A_83] : memref<1024x20x64xf32, #tpu.memory_space<hbm>> -> memref<1x20x64xf32, #tpu.memory_space<hbm>>
    %dma_start3A_85 = tpu.memref_squeeze %dma_start3A_84 : memref<1x20x64xf32, #tpu.memory_space<hbm>> -> memref<20x64xf32, #tpu.memory_space<hbm>>
    %dma_start3A_86 = arith.constant 80 : i32
    %dma_start3A_87 = arith.constant 0 : i32
    %dma_start3A_88 = tpu.memref_slice %arg6[%dma_start3A_86, %dma_start3A_87] : memref<640x64xf32, #tpu.memory_space<vmem>> -> memref<20x64xf32, #tpu.memory_space<vmem>>
    tpu.enqueue_dma source(%dma_start3A_88 : memref<20x64xf32, #tpu.memory_space<vmem>>) target(%dma_start3A_85 : memref<20x64xf32, #tpu.memory_space<hbm>>) target_semaphore(%arg7 : memref<!tpu.dma_semaphore, #tpu.memory_space<semaphore_mem>>)
    %add3A_89 = arith.constant 5 : i32
    %add3A_90 = arith.addi %mul3A_8, %add3A_89 : i32
    %dma_start3A_91 = arith.constant 100 : i32
    %dma_start3A_92 = arith.constant 0 : i32
    %dma_start3A_93 = tpu.memref_slice %arg6[%dma_start3A_91, %dma_start3A_92] : memref<640x64xf32, #tpu.memory_space<vmem>> -> memref<20x64xf32, #tpu.memory_space<vmem>>
    %dma_start3A_94 = arith.constant 0 : i32
    %dma_start3A_95 = arith.constant 0 : i32
    %dma_start3A_96 = tpu.memref_slice %arg4[%add3A_90, %dma_start3A_94, %dma_start3A_95] : memref<1024x20x64xf32, #tpu.memory_space<hbm>> -> memref<1x20x64xf32, #tpu.memory_space<hbm>>
    %dma_start3A_97 = tpu.memref_squeeze %dma_start3A_96 : memref<1x20x64xf32, #tpu.memory_space<hbm>> -> memref<20x64xf32, #tpu.memory_space<hbm>>
    %dma_start3A_98 = arith.constant 0 : i32
    %dma_start3A_99 = arith.constant 0 : i32
    %dma_start3A_100 = tpu.memref_slice %arg4[%add3A_90, %dma_start3A_98, %dma_start3A_99] : memref<1024x20x64xf32, #tpu.memory_space<hbm>> -> memref<1x20x64xf32, #tpu.memory_space<hbm>>
    %dma_start3A_101 = tpu.memref_squeeze %dma_start3A_100 : memref<1x20x64xf32, #tpu.memory_space<hbm>> -> memref<20x64xf32, #tpu.memory_space<hbm>>
    %dma_start3A_102 = arith.constant 100 : i32
    %dma_start3A_103 = arith.constant 0 : i32
    %dma_start3A_104 = tpu.memref_slice %arg6[%dma_start3A_102, %dma_start3A_103] : memref<640x64xf32, #tpu.memory_space<vmem>> -> memref<20x64xf32, #tpu.memory_space<vmem>>
    tpu.enqueue_dma source(%dma_start3A_104 : memref<20x64xf32, #tpu.memory_space<vmem>>) target(%dma_start3A_101 : memref<20x64xf32, #tpu.memory_space<hbm>>) target_semaphore(%arg7 : memref<!tpu.dma_semaphore, #tpu.memory_space<semaphore_mem>>)
    %add3A_105 = arith.constant 6 : i32
    %add3A_106 = arith.addi %mul3A_8, %add3A_105 : i32
    %dma_start3A_107 = arith.constant 120 : i32
    %dma_start3A_108 = arith.constant 0 : i32
    %dma_start3A_109 = tpu.memref_slice %arg6[%dma_start3A_107, %dma_start3A_108] : memref<640x64xf32, #tpu.memory_space<vmem>> -> memref<20x64xf32, #tpu.memory_space<vmem>>
    %dma_start3A_110 = arith.constant 0 : i32
    %dma_start3A_111 = arith.constant 0 : i32
    %dma_start3A_112 = tpu.memref_slice %arg4[%add3A_106, %dma_start3A_110, %dma_start3A_111] : memref<1024x20x64xf32, #tpu.memory_space<hbm>> -> memref<1x20x64xf32, #tpu.memory_space<hbm>>
    %dma_start3A_113 = tpu.memref_squeeze %dma_start3A_112 : memref<1x20x64xf32, #tpu.memory_space<hbm>> -> memref<20x64xf32, #tpu.memory_space<hbm>>
    %dma_start3A_114 = arith.constant 0 : i32
    %dma_start3A_115 = arith.constant 0 : i32
    %dma_start3A_116 = tpu.memref_slice %arg4[%add3A_106, %dma_start3A_114, %dma_start3A_115] : memref<1024x20x64xf32, #tpu.memory_space<hbm>> -> memref<1x20x64xf32, #tpu.memory_space<hbm>>
    %dma_start3A_117 = tpu.memref_squeeze %dma_start3A_116 : memref<1x20x64xf32, #tpu.memory_space<hbm>> -> memref<20x64xf32, #tpu.memory_space<hbm>>
    %dma_start3A_118 = arith.constant 120 : i32
    %dma_start3A_119 = arith.constant 0 : i32
    %dma_start3A_120 = tpu.memref_slice %arg6[%dma_start3A_118, %dma_start3A_119] : memref<640x64xf32, #tpu.memory_space<vmem>> -> memref<20x64xf32, #tpu.memory_space<vmem>>
    tpu.enqueue_dma source(%dma_start3A_120 : memref<20x64xf32, #tpu.memory_space<vmem>>) target(%dma_start3A_117 : memref<20x64xf32, #tpu.memory_space<hbm>>) target_semaphore(%arg7 : memref<!tpu.dma_semaphore, #tpu.memory_space<semaphore_mem>>)
    %add3A_121 = arith.constant 7 : i32
    %add3A_122 = arith.addi %mul3A_8, %add3A_121 : i32
    %dma_start3A_123 = arith.constant 140 : i32
    %dma_start3A_124 = arith.constant 0 : i32
    %dma_start3A_125 = tpu.memref_slice %arg6[%dma_start3A_123, %dma_start3A_124] : memref<640x64xf32, #tpu.memory_space<vmem>> -> memref<20x64xf32, #tpu.memory_space<vmem>>
    %dma_start3A_126 = arith.constant 0 : i32
    %dma_start3A_127 = arith.constant 0 : i32
    %dma_start3A_128 = tpu.memref_slice %arg4[%add3A_122, %dma_start3A_126, %dma_start3A_127] : memref<1024x20x64xf32, #tpu.memory_space<hbm>> -> memref<1x20x64xf32, #tpu.memory_space<hbm>>
    %dma_start3A_129 = tpu.memref_squeeze %dma_start3A_128 : memref<1x20x64xf32, #tpu.memory_space<hbm>> -> memref<20x64xf32, #tpu.memory_space<hbm>>
    %dma_start3A_130 = arith.constant 0 : i32
    %dma_start3A_131 = arith.constant 0 : i32
    %dma_start3A_132 = tpu.memref_slice %arg4[%add3A_122, %dma_start3A_130, %dma_start3A_131] : memref<1024x20x64xf32, #tpu.memory_space<hbm>> -> memref<1x20x64xf32, #tpu.memory_space<hbm>>
    %dma_start3A_133 = tpu.memref_squeeze %dma_start3A_132 : memref<1x20x64xf32, #tpu.memory_space<hbm>> -> memref<20x64xf32, #tpu.memory_space<hbm>>
    %dma_start3A_134 = arith.constant 140 : i32
    %dma_start3A_135 = arith.constant 0 : i32
    %dma_start3A_136 = tpu.memref_slice %arg6[%dma_start3A_134, %dma_start3A_135] : memref<640x64xf32, #tpu.memory_space<vmem>> -> memref<20x64xf32, #tpu.memory_space<vmem>>
    tpu.enqueue_dma source(%dma_start3A_136 : memref<20x64xf32, #tpu.memory_space<vmem>>) target(%dma_start3A_133 : memref<20x64xf32, #tpu.memory_space<hbm>>) target_semaphore(%arg7 : memref<!tpu.dma_semaphore, #tpu.memory_space<semaphore_mem>>)
    %add3A_137 = arith.constant 8 : i32
    %add3A_138 = arith.addi %mul3A_8, %add3A_137 : i32
    %dma_start3A_139 = arith.constant 160 : i32
    %dma_start3A_140 = arith.constant 0 : i32
    %dma_start3A_141 = tpu.memref_slice %arg6[%dma_start3A_139, %dma_start3A_140] : memref<640x64xf32, #tpu.memory_space<vmem>> -> memref<20x64xf32, #tpu.memory_space<vmem>>
    %dma_start3A_142 = arith.constant 0 : i32
    %dma_start3A_143 = arith.constant 0 : i32
    %dma_start3A_144 = tpu.memref_slice %arg4[%add3A_138, %dma_start3A_142, %dma_start3A_143] : memref<1024x20x64xf32, #tpu.memory_space<hbm>> -> memref<1x20x64xf32, #tpu.memory_space<hbm>>
    %dma_start3A_145 = tpu.memref_squeeze %dma_start3A_144 : memref<1x20x64xf32, #tpu.memory_space<hbm>> -> memref<20x64xf32, #tpu.memory_space<hbm>>
    %dma_start3A_146 = arith.constant 0 : i32
    %dma_start3A_147 = arith.constant 0 : i32
    %dma_start3A_148 = tpu.memref_slice %arg4[%add3A_138, %dma_start3A_146, %dma_start3A_147] : memref<1024x20x64xf32, #tpu.memory_space<hbm>> -> memref<1x20x64xf32, #tpu.memory_space<hbm>>
    %dma_start3A_149 = tpu.memref_squeeze %dma_start3A_148 : memref<1x20x64xf32, #tpu.memory_space<hbm>> -> memref<20x64xf32, #tpu.memory_space<hbm>>
    %dma_start3A_150 = arith.constant 160 : i32
    %dma_start3A_151 = arith.constant 0 : i32
    %dma_start3A_152 = tpu.memref_slice %arg6[%dma_start3A_150, %dma_start3A_151] : memref<640x64xf32, #tpu.memory_space<vmem>> -> memref<20x64xf32, #tpu.memory_space<vmem>>
    tpu.enqueue_dma source(%dma_start3A_152 : memref<20x64xf32, #tpu.memory_space<vmem>>) target(%dma_start3A_149 : memref<20x64xf32, #tpu.memory_space<hbm>>) target_semaphore(%arg7 : memref<!tpu.dma_semaphore, #tpu.memory_space<semaphore_mem>>)
    %add3A_153 = arith.constant 9 : i32
    %add3A_154 = arith.addi %mul3A_8, %add3A_153 : i32
    %dma_start3A_155 = arith.constant 180 : i32
    %dma_start3A_156 = arith.constant 0 : i32
    %dma_start3A_157 = tpu.memref_slice %arg6[%dma_start3A_155, %dma_start3A_156] : memref<640x64xf32, #tpu.memory_space<vmem>> -> memref<20x64xf32, #tpu.memory_space<vmem>>
    %dma_start3A_158 = arith.constant 0 : i32
    %dma_start3A_159 = arith.constant 0 : i32
    %dma_start3A_160 = tpu.memref_slice %arg4[%add3A_154, %dma_start3A_158, %dma_start3A_159] : memref<1024x20x64xf32, #tpu.memory_space<hbm>> -> memref<1x20x64xf32, #tpu.memory_space<hbm>>
    %dma_start3A_161 = tpu.memref_squeeze %dma_start3A_160 : memref<1x20x64xf32, #tpu.memory_space<hbm>> -> memref<20x64xf32, #tpu.memory_space<hbm>>
    %dma_start3A_162 = arith.constant 0 : i32
    %dma_start3A_163 = arith.constant 0 : i32
    %dma_start3A_164 = tpu.memref_slice %arg4[%add3A_154, %dma_start3A_162, %dma_start3A_163] : memref<1024x20x64xf32, #tpu.memory_space<hbm>> -> memref<1x20x64xf32, #tpu.memory_space<hbm>>
    %dma_start3A_165 = tpu.memref_squeeze %dma_start3A_164 : memref<1x20x64xf32, #tpu.memory_space<hbm>> -> memref<20x64xf32, #tpu.memory_space<hbm>>
    %dma_start3A_166 = arith.constant 180 : i32
    %dma_start3A_167 = arith.constant 0 : i32
    %dma_start3A_168 = tpu.memref_slice %arg6[%dma_start3A_166, %dma_start3A_167] : memref<640x64xf32, #tpu.memory_space<vmem>> -> memref<20x64xf32, #tpu.memory_space<vmem>>
    tpu.enqueue_dma source(%dma_start3A_168 : memref<20x64xf32, #tpu.memory_space<vmem>>) target(%dma_start3A_165 : memref<20x64xf32, #tpu.memory_space<hbm>>) target_semaphore(%arg7 : memref<!tpu.dma_semaphore, #tpu.memory_space<semaphore_mem>>)
    %add3A_169 = arith.constant 10 : i32
    %add3A_170 = arith.addi %mul3A_8, %add3A_169 : i32
    %dma_start3A_171 = arith.constant 200 : i32
    %dma_start3A_172 = arith.constant 0 : i32
    %dma_start3A_173 = tpu.memref_slice %arg6[%dma_start3A_171, %dma_start3A_172] : memref<640x64xf32, #tpu.memory_space<vmem>> -> memref<20x64xf32, #tpu.memory_space<vmem>>
    %dma_start3A_174 = arith.constant 0 : i32
    %dma_start3A_175 = arith.constant 0 : i32
    %dma_start3A_176 = tpu.memref_slice %arg4[%add3A_170, %dma_start3A_174, %dma_start3A_175] : memref<1024x20x64xf32, #tpu.memory_space<hbm>> -> memref<1x20x64xf32, #tpu.memory_space<hbm>>
    %dma_start3A_177 = tpu.memref_squeeze %dma_start3A_176 : memref<1x20x64xf32, #tpu.memory_space<hbm>> -> memref<20x64xf32, #tpu.memory_space<hbm>>
    %dma_start3A_178 = arith.constant 0 : i32
    %dma_start3A_179 = arith.constant 0 : i32
    %dma_start3A_180 = tpu.memref_slice %arg4[%add3A_170, %dma_start3A_178, %dma_start3A_179] : memref<1024x20x64xf32, #tpu.memory_space<hbm>> -> memref<1x20x64xf32, #tpu.memory_space<hbm>>
    %dma_start3A_181 = tpu.memref_squeeze %dma_start3A_180 : memref<1x20x64xf32, #tpu.memory_space<hbm>> -> memref<20x64xf32, #tpu.memory_space<hbm>>
    %dma_start3A_182 = arith.constant 200 : i32
    %dma_start3A_183 = arith.constant 0 : i32
    %dma_start3A_184 = tpu.memref_slice %arg6[%dma_start3A_182, %dma_start3A_183] : memref<640x64xf32, #tpu.memory_space<vmem>> -> memref<20x64xf32, #tpu.memory_space<vmem>>
    tpu.enqueue_dma source(%dma_start3A_184 : memref<20x64xf32, #tpu.memory_space<vmem>>) target(%dma_start3A_181 : memref<20x64xf32, #tpu.memory_space<hbm>>) target_semaphore(%arg7 : memref<!tpu.dma_semaphore, #tpu.memory_space<semaphore_mem>>)
    %add3A_185 = arith.constant 11 : i32
    %add3A_186 = arith.addi %mul3A_8, %add3A_185 : i32
    %dma_start3A_187 = arith.constant 220 : i32
    %dma_start3A_188 = arith.constant 0 : i32
    %dma_start3A_189 = tpu.memref_slice %arg6[%dma_start3A_187, %dma_start3A_188] : memref<640x64xf32, #tpu.memory_space<vmem>> -> memref<20x64xf32, #tpu.memory_space<vmem>>
    %dma_start3A_190 = arith.constant 0 : i32
    %dma_start3A_191 = arith.constant 0 : i32
    %dma_start3A_192 = tpu.memref_slice %arg4[%add3A_186, %dma_start3A_190, %dma_start3A_191] : memref<1024x20x64xf32, #tpu.memory_space<hbm>> -> memref<1x20x64xf32, #tpu.memory_space<hbm>>
    %dma_start3A_193 = tpu.memref_squeeze %dma_start3A_192 : memref<1x20x64xf32, #tpu.memory_space<hbm>> -> memref<20x64xf32, #tpu.memory_space<hbm>>
    %dma_start3A_194 = arith.constant 0 : i32
    %dma_start3A_195 = arith.constant 0 : i32
    %dma_start3A_196 = tpu.memref_slice %arg4[%add3A_186, %dma_start3A_194, %dma_start3A_195] : memref<1024x20x64xf32, #tpu.memory_space<hbm>> -> memref<1x20x64xf32, #tpu.memory_space<hbm>>
    %dma_start3A_197 = tpu.memref_squeeze %dma_start3A_196 : memref<1x20x64xf32, #tpu.memory_space<hbm>> -> memref<20x64xf32, #tpu.memory_space<hbm>>
    %dma_start3A_198 = arith.constant 220 : i32
    %dma_start3A_199 = arith.constant 0 : i32
    %dma_start3A_200 = tpu.memref_slice %arg6[%dma_start3A_198, %dma_start3A_199] : memref<640x64xf32, #tpu.memory_space<vmem>> -> memref<20x64xf32, #tpu.memory_space<vmem>>
    tpu.enqueue_dma source(%dma_start3A_200 : memref<20x64xf32, #tpu.memory_space<vmem>>) target(%dma_start3A_197 : memref<20x64xf32, #tpu.memory_space<hbm>>) target_semaphore(%arg7 : memref<!tpu.dma_semaphore, #tpu.memory_space<semaphore_mem>>)
    %add3A_201 = arith.constant 12 : i32
    %add3A_202 = arith.addi %mul3A_8, %add3A_201 : i32
    %dma_start3A_203 = arith.constant 240 : i32
    %dma_start3A_204 = arith.constant 0 : i32
    %dma_start3A_205 = tpu.memref_slice %arg6[%dma_start3A_203, %dma_start3A_204] : memref<640x64xf32, #tpu.memory_space<vmem>> -> memref<20x64xf32, #tpu.memory_space<vmem>>
    %dma_start3A_206 = arith.constant 0 : i32
    %dma_start3A_207 = arith.constant 0 : i32
    %dma_start3A_208 = tpu.memref_slice %arg4[%add3A_202, %dma_start3A_206, %dma_start3A_207] : memref<1024x20x64xf32, #tpu.memory_space<hbm>> -> memref<1x20x64xf32, #tpu.memory_space<hbm>>
    %dma_start3A_209 = tpu.memref_squeeze %dma_start3A_208 : memref<1x20x64xf32, #tpu.memory_space<hbm>> -> memref<20x64xf32, #tpu.memory_space<hbm>>
    %dma_start3A_210 = arith.constant 0 : i32
    %dma_start3A_211 = arith.constant 0 : i32
    %dma_start3A_212 = tpu.memref_slice %arg4[%add3A_202, %dma_start3A_210, %dma_start3A_211] : memref<1024x20x64xf32, #tpu.memory_space<hbm>> -> memref<1x20x64xf32, #tpu.memory_space<hbm>>
    %dma_start3A_213 = tpu.memref_squeeze %dma_start3A_212 : memref<1x20x64xf32, #tpu.memory_space<hbm>> -> memref<20x64xf32, #tpu.memory_space<hbm>>
    %dma_start3A_214 = arith.constant 240 : i32
    %dma_start3A_215 = arith.constant 0 : i32
    %dma_start3A_216 = tpu.memref_slice %arg6[%dma_start3A_214, %dma_start3A_215] : memref<640x64xf32, #tpu.memory_space<vmem>> -> memref<20x64xf32, #tpu.memory_space<vmem>>
    tpu.enqueue_dma source(%dma_start3A_216 : memref<20x64xf32, #tpu.memory_space<vmem>>) target(%dma_start3A_213 : memref<20x64xf32, #tpu.memory_space<hbm>>) target_semaphore(%arg7 : memref<!tpu.dma_semaphore, #tpu.memory_space<semaphore_mem>>)
    %add3A_217 = arith.constant 13 : i32
    %add3A_218 = arith.addi %mul3A_8, %add3A_217 : i32
    %dma_start3A_219 = arith.constant 260 : i32
    %dma_start3A_220 = arith.constant 0 : i32
    %dma_start3A_221 = tpu.memref_slice %arg6[%dma_start3A_219, %dma_start3A_220] : memref<640x64xf32, #tpu.memory_space<vmem>> -> memref<20x64xf32, #tpu.memory_space<vmem>>
    %dma_start3A_222 = arith.constant 0 : i32
    %dma_start3A_223 = arith.constant 0 : i32
    %dma_start3A_224 = tpu.memref_slice %arg4[%add3A_218, %dma_start3A_222, %dma_start3A_223] : memref<1024x20x64xf32, #tpu.memory_space<hbm>> -> memref<1x20x64xf32, #tpu.memory_space<hbm>>
    %dma_start3A_225 = tpu.memref_squeeze %dma_start3A_224 : memref<1x20x64xf32, #tpu.memory_space<hbm>> -> memref<20x64xf32, #tpu.memory_space<hbm>>
    %dma_start3A_226 = arith.constant 0 : i32
    %dma_start3A_227 = arith.constant 0 : i32
    %dma_start3A_228 = tpu.memref_slice %arg4[%add3A_218, %dma_start3A_226, %dma_start3A_227] : memref<1024x20x64xf32, #tpu.memory_space<hbm>> -> memref<1x20x64xf32, #tpu.memory_space<hbm>>
    %dma_start3A_229 = tpu.memref_squeeze %dma_start3A_228 : memref<1x20x64xf32, #tpu.memory_space<hbm>> -> memref<20x64xf32, #tpu.memory_space<hbm>>
    %dma_start3A_230 = arith.constant 260 : i32
    %dma_start3A_231 = arith.constant 0 : i32
    %dma_start3A_232 = tpu.memref_slice %arg6[%dma_start3A_230, %dma_start3A_231] : memref<640x64xf32, #tpu.memory_space<vmem>> -> memref<20x64xf32, #tpu.memory_space<vmem>>
    tpu.enqueue_dma source(%dma_start3A_232 : memref<20x64xf32, #tpu.memory_space<vmem>>) target(%dma_start3A_229 : memref<20x64xf32, #tpu.memory_space<hbm>>) target_semaphore(%arg7 : memref<!tpu.dma_semaphore, #tpu.memory_space<semaphore_mem>>)
    %add3A_233 = arith.constant 14 : i32
    %add3A_234 = arith.addi %mul3A_8, %add3A_233 : i32
    %dma_start3A_235 = arith.constant 280 : i32
    %dma_start3A_236 = arith.constant 0 : i32
    %dma_start3A_237 = tpu.memref_slice %arg6[%dma_start3A_235, %dma_start3A_236] : memref<640x64xf32, #tpu.memory_space<vmem>> -> memref<20x64xf32, #tpu.memory_space<vmem>>
    %dma_start3A_238 = arith.constant 0 : i32
    %dma_start3A_239 = arith.constant 0 : i32
    %dma_start3A_240 = tpu.memref_slice %arg4[%add3A_234, %dma_start3A_238, %dma_start3A_239] : memref<1024x20x64xf32, #tpu.memory_space<hbm>> -> memref<1x20x64xf32, #tpu.memory_space<hbm>>
    %dma_start3A_241 = tpu.memref_squeeze %dma_start3A_240 : memref<1x20x64xf32, #tpu.memory_space<hbm>> -> memref<20x64xf32, #tpu.memory_space<hbm>>
    %dma_start3A_242 = arith.constant 0 : i32
    %dma_start3A_243 = arith.constant 0 : i32
    %dma_start3A_244 = tpu.memref_slice %arg4[%add3A_234, %dma_start3A_242, %dma_start3A_243] : memref<1024x20x64xf32, #tpu.memory_space<hbm>> -> memref<1x20x64xf32, #tpu.memory_space<hbm>>
    %dma_start3A_245 = tpu.memref_squeeze %dma_start3A_244 : memref<1x20x64xf32, #tpu.memory_space<hbm>> -> memref<20x64xf32, #tpu.memory_space<hbm>>
    %dma_start3A_246 = arith.constant 280 : i32
    %dma_start3A_247 = arith.constant 0 : i32
    %dma_start3A_248 = tpu.memref_slice %arg6[%dma_start3A_246, %dma_start3A_247] : memref<640x64xf32, #tpu.memory_space<vmem>> -> memref<20x64xf32, #tpu.memory_space<vmem>>
    tpu.enqueue_dma source(%dma_start3A_248 : memref<20x64xf32, #tpu.memory_space<vmem>>) target(%dma_start3A_245 : memref<20x64xf32, #tpu.memory_space<hbm>>) target_semaphore(%arg7 : memref<!tpu.dma_semaphore, #tpu.memory_space<semaphore_mem>>)
    %add3A_249 = arith.constant 15 : i32
    %add3A_250 = arith.addi %mul3A_8, %add3A_249 : i32
    %dma_start3A_251 = arith.constant 300 : i32
    %dma_start3A_252 = arith.constant 0 : i32
    %dma_start3A_253 = tpu.memref_slice %arg6[%dma_start3A_251, %dma_start3A_252] : memref<640x64xf32, #tpu.memory_space<vmem>> -> memref<20x64xf32, #tpu.memory_space<vmem>>
    %dma_start3A_254 = arith.constant 0 : i32
    %dma_start3A_255 = arith.constant 0 : i32
    %dma_start3A_256 = tpu.memref_slice %arg4[%add3A_250, %dma_start3A_254, %dma_start3A_255] : memref<1024x20x64xf32, #tpu.memory_space<hbm>> -> memref<1x20x64xf32, #tpu.memory_space<hbm>>
    %dma_start3A_257 = tpu.memref_squeeze %dma_start3A_256 : memref<1x20x64xf32, #tpu.memory_space<hbm>> -> memref<20x64xf32, #tpu.memory_space<hbm>>
    %dma_start3A_258 = arith.constant 0 : i32
    %dma_start3A_259 = arith.constant 0 : i32
    %dma_start3A_260 = tpu.memref_slice %arg4[%add3A_250, %dma_start3A_258, %dma_start3A_259] : memref<1024x20x64xf32, #tpu.memory_space<hbm>> -> memref<1x20x64xf32, #tpu.memory_space<hbm>>
    %dma_start3A_261 = tpu.memref_squeeze %dma_start3A_260 : memref<1x20x64xf32, #tpu.memory_space<hbm>> -> memref<20x64xf32, #tpu.memory_space<hbm>>
    %dma_start3A_262 = arith.constant 300 : i32
    %dma_start3A_263 = arith.constant 0 : i32
    %dma_start3A_264 = tpu.memref_slice %arg6[%dma_start3A_262, %dma_start3A_263] : memref<640x64xf32, #tpu.memory_space<vmem>> -> memref<20x64xf32, #tpu.memory_space<vmem>>
    tpu.enqueue_dma source(%dma_start3A_264 : memref<20x64xf32, #tpu.memory_space<vmem>>) target(%dma_start3A_261 : memref<20x64xf32, #tpu.memory_space<hbm>>) target_semaphore(%arg7 : memref<!tpu.dma_semaphore, #tpu.memory_space<semaphore_mem>>)
    %add3A_265 = arith.constant 16 : i32
    %add3A_266 = arith.addi %mul3A_8, %add3A_265 : i32
    %dma_start3A_267 = arith.constant 320 : i32
    %dma_start3A_268 = arith.constant 0 : i32
    %dma_start3A_269 = tpu.memref_slice %arg6[%dma_start3A_267, %dma_start3A_268] : memref<640x64xf32, #tpu.memory_space<vmem>> -> memref<20x64xf32, #tpu.memory_space<vmem>>
    %dma_start3A_270 = arith.constant 0 : i32
    %dma_start3A_271 = arith.constant 0 : i32
    %dma_start3A_272 = tpu.memref_slice %arg4[%add3A_266, %dma_start3A_270, %dma_start3A_271] : memref<1024x20x64xf32, #tpu.memory_space<hbm>> -> memref<1x20x64xf32, #tpu.memory_space<hbm>>
    %dma_start3A_273 = tpu.memref_squeeze %dma_start3A_272 : memref<1x20x64xf32, #tpu.memory_space<hbm>> -> memref<20x64xf32, #tpu.memory_space<hbm>>
    %dma_start3A_274 = arith.constant 0 : i32
    %dma_start3A_275 = arith.constant 0 : i32
    %dma_start3A_276 = tpu.memref_slice %arg4[%add3A_266, %dma_start3A_274, %dma_start3A_275] : memref<1024x20x64xf32, #tpu.memory_space<hbm>> -> memref<1x20x64xf32, #tpu.memory_space<hbm>>
    %dma_start3A_277 = tpu.memref_squeeze %dma_start3A_276 : memref<1x20x64xf32, #tpu.memory_space<hbm>> -> memref<20x64xf32, #tpu.memory_space<hbm>>
    %dma_start3A_278 = arith.constant 320 : i32
    %dma_start3A_279 = arith.constant 0 : i32
    %dma_start3A_280 = tpu.memref_slice %arg6[%dma_start3A_278, %dma_start3A_279] : memref<640x64xf32, #tpu.memory_space<vmem>> -> memref<20x64xf32, #tpu.memory_space<vmem>>
    tpu.enqueue_dma source(%dma_start3A_280 : memref<20x64xf32, #tpu.memory_space<vmem>>) target(%dma_start3A_277 : memref<20x64xf32, #tpu.memory_space<hbm>>) target_semaphore(%arg7 : memref<!tpu.dma_semaphore, #tpu.memory_space<semaphore_mem>>)
    %add3A_281 = arith.constant 17 : i32
    %add3A_282 = arith.addi %mul3A_8, %add3A_281 : i32
    %dma_start3A_283 = arith.constant 340 : i32
    %dma_start3A_284 = arith.constant 0 : i32
    %dma_start3A_285 = tpu.memref_slice %arg6[%dma_start3A_283, %dma_start3A_284] : memref<640x64xf32, #tpu.memory_space<vmem>> -> memref<20x64xf32, #tpu.memory_space<vmem>>
    %dma_start3A_286 = arith.constant 0 : i32
    %dma_start3A_287 = arith.constant 0 : i32
    %dma_start3A_288 = tpu.memref_slice %arg4[%add3A_282, %dma_start3A_286, %dma_start3A_287] : memref<1024x20x64xf32, #tpu.memory_space<hbm>> -> memref<1x20x64xf32, #tpu.memory_space<hbm>>
    %dma_start3A_289 = tpu.memref_squeeze %dma_start3A_288 : memref<1x20x64xf32, #tpu.memory_space<hbm>> -> memref<20x64xf32, #tpu.memory_space<hbm>>
    %dma_start3A_290 = arith.constant 0 : i32
    %dma_start3A_291 = arith.constant 0 : i32
    %dma_start3A_292 = tpu.memref_slice %arg4[%add3A_282, %dma_start3A_290, %dma_start3A_291] : memref<1024x20x64xf32, #tpu.memory_space<hbm>> -> memref<1x20x64xf32, #tpu.memory_space<hbm>>
    %dma_start3A_293 = tpu.memref_squeeze %dma_start3A_292 : memref<1x20x64xf32, #tpu.memory_space<hbm>> -> memref<20x64xf32, #tpu.memory_space<hbm>>
    %dma_start3A_294 = arith.constant 340 : i32
    %dma_start3A_295 = arith.constant 0 : i32
    %dma_start3A_296 = tpu.memref_slice %arg6[%dma_start3A_294, %dma_start3A_295] : memref<640x64xf32, #tpu.memory_space<vmem>> -> memref<20x64xf32, #tpu.memory_space<vmem>>
    tpu.enqueue_dma source(%dma_start3A_296 : memref<20x64xf32, #tpu.memory_space<vmem>>) target(%dma_start3A_293 : memref<20x64xf32, #tpu.memory_space<hbm>>) target_semaphore(%arg7 : memref<!tpu.dma_semaphore, #tpu.memory_space<semaphore_mem>>)
    %add3A_297 = arith.constant 18 : i32
    %add3A_298 = arith.addi %mul3A_8, %add3A_297 : i32
    %dma_start3A_299 = arith.constant 360 : i32
    %dma_start3A_300 = arith.constant 0 : i32
    %dma_start3A_301 = tpu.memref_slice %arg6[%dma_start3A_299, %dma_start3A_300] : memref<640x64xf32, #tpu.memory_space<vmem>> -> memref<20x64xf32, #tpu.memory_space<vmem>>
    %dma_start3A_302 = arith.constant 0 : i32
    %dma_start3A_303 = arith.constant 0 : i32
    %dma_start3A_304 = tpu.memref_slice %arg4[%add3A_298, %dma_start3A_302, %dma_start3A_303] : memref<1024x20x64xf32, #tpu.memory_space<hbm>> -> memref<1x20x64xf32, #tpu.memory_space<hbm>>
    %dma_start3A_305 = tpu.memref_squeeze %dma_start3A_304 : memref<1x20x64xf32, #tpu.memory_space<hbm>> -> memref<20x64xf32, #tpu.memory_space<hbm>>
    %dma_start3A_306 = arith.constant 0 : i32
    %dma_start3A_307 = arith.constant 0 : i32
    %dma_start3A_308 = tpu.memref_slice %arg4[%add3A_298, %dma_start3A_306, %dma_start3A_307] : memref<1024x20x64xf32, #tpu.memory_space<hbm>> -> memref<1x20x64xf32, #tpu.memory_space<hbm>>
    %dma_start3A_309 = tpu.memref_squeeze %dma_start3A_308 : memref<1x20x64xf32, #tpu.memory_space<hbm>> -> memref<20x64xf32, #tpu.memory_space<hbm>>
    %dma_start3A_310 = arith.constant 360 : i32
    %dma_start3A_311 = arith.constant 0 : i32
    %dma_start3A_312 = tpu.memref_slice %arg6[%dma_start3A_310, %dma_start3A_311] : memref<640x64xf32, #tpu.memory_space<vmem>> -> memref<20x64xf32, #tpu.memory_space<vmem>>
    tpu.enqueue_dma source(%dma_start3A_312 : memref<20x64xf32, #tpu.memory_space<vmem>>) target(%dma_start3A_309 : memref<20x64xf32, #tpu.memory_space<hbm>>) target_semaphore(%arg7 : memref<!tpu.dma_semaphore, #tpu.memory_space<semaphore_mem>>)
    %add3A_313 = arith.constant 19 : i32
    %add3A_314 = arith.addi %mul3A_8, %add3A_313 : i32
    %dma_start3A_315 = arith.constant 380 : i32
    %dma_start3A_316 = arith.constant 0 : i32
    %dma_start3A_317 = tpu.memref_slice %arg6[%dma_start3A_315, %dma_start3A_316] : memref<640x64xf32, #tpu.memory_space<vmem>> -> memref<20x64xf32, #tpu.memory_space<vmem>>
    %dma_start3A_318 = arith.constant 0 : i32
    %dma_start3A_319 = arith.constant 0 : i32
    %dma_start3A_320 = tpu.memref_slice %arg4[%add3A_314, %dma_start3A_318, %dma_start3A_319] : memref<1024x20x64xf32, #tpu.memory_space<hbm>> -> memref<1x20x64xf32, #tpu.memory_space<hbm>>
    %dma_start3A_321 = tpu.memref_squeeze %dma_start3A_320 : memref<1x20x64xf32, #tpu.memory_space<hbm>> -> memref<20x64xf32, #tpu.memory_space<hbm>>
    %dma_start3A_322 = arith.constant 0 : i32
    %dma_start3A_323 = arith.constant 0 : i32
    %dma_start3A_324 = tpu.memref_slice %arg4[%add3A_314, %dma_start3A_322, %dma_start3A_323] : memref<1024x20x64xf32, #tpu.memory_space<hbm>> -> memref<1x20x64xf32, #tpu.memory_space<hbm>>
    %dma_start3A_325 = tpu.memref_squeeze %dma_start3A_324 : memref<1x20x64xf32, #tpu.memory_space<hbm>> -> memref<20x64xf32, #tpu.memory_space<hbm>>
    %dma_start3A_326 = arith.constant 380 : i32
    %dma_start3A_327 = arith.constant 0 : i32
    %dma_start3A_328 = tpu.memref_slice %arg6[%dma_start3A_326, %dma_start3A_327] : memref<640x64xf32, #tpu.memory_space<vmem>> -> memref<20x64xf32, #tpu.memory_space<vmem>>
    tpu.enqueue_dma source(%dma_start3A_328 : memref<20x64xf32, #tpu.memory_space<vmem>>) target(%dma_start3A_325 : memref<20x64xf32, #tpu.memory_space<hbm>>) target_semaphore(%arg7 : memref<!tpu.dma_semaphore, #tpu.memory_space<semaphore_mem>>)
    %add3A_329 = arith.constant 20 : i32
    %add3A_330 = arith.addi %mul3A_8, %add3A_329 : i32
    %dma_start3A_331 = arith.constant 400 : i32
    %dma_start3A_332 = arith.constant 0 : i32
    %dma_start3A_333 = tpu.memref_slice %arg6[%dma_start3A_331, %dma_start3A_332] : memref<640x64xf32, #tpu.memory_space<vmem>> -> memref<20x64xf32, #tpu.memory_space<vmem>>
    %dma_start3A_334 = arith.constant 0 : i32
    %dma_start3A_335 = arith.constant 0 : i32
    %dma_start3A_336 = tpu.memref_slice %arg4[%add3A_330, %dma_start3A_334, %dma_start3A_335] : memref<1024x20x64xf32, #tpu.memory_space<hbm>> -> memref<1x20x64xf32, #tpu.memory_space<hbm>>
    %dma_start3A_337 = tpu.memref_squeeze %dma_start3A_336 : memref<1x20x64xf32, #tpu.memory_space<hbm>> -> memref<20x64xf32, #tpu.memory_space<hbm>>
    %dma_start3A_338 = arith.constant 0 : i32
    %dma_start3A_339 = arith.constant 0 : i32
    %dma_start3A_340 = tpu.memref_slice %arg4[%add3A_330, %dma_start3A_338, %dma_start3A_339] : memref<1024x20x64xf32, #tpu.memory_space<hbm>> -> memref<1x20x64xf32, #tpu.memory_space<hbm>>
    %dma_start3A_341 = tpu.memref_squeeze %dma_start3A_340 : memref<1x20x64xf32, #tpu.memory_space<hbm>> -> memref<20x64xf32, #tpu.memory_space<hbm>>
    %dma_start3A_342 = arith.constant 400 : i32
    %dma_start3A_343 = arith.constant 0 : i32
    %dma_start3A_344 = tpu.memref_slice %arg6[%dma_start3A_342, %dma_start3A_343] : memref<640x64xf32, #tpu.memory_space<vmem>> -> memref<20x64xf32, #tpu.memory_space<vmem>>
    tpu.enqueue_dma source(%dma_start3A_344 : memref<20x64xf32, #tpu.memory_space<vmem>>) target(%dma_start3A_341 : memref<20x64xf32, #tpu.memory_space<hbm>>) target_semaphore(%arg7 : memref<!tpu.dma_semaphore, #tpu.memory_space<semaphore_mem>>)
    %add3A_345 = arith.constant 21 : i32
    %add3A_346 = arith.addi %mul3A_8, %add3A_345 : i32
    %dma_start3A_347 = arith.constant 420 : i32
    %dma_start3A_348 = arith.constant 0 : i32
    %dma_start3A_349 = tpu.memref_slice %arg6[%dma_start3A_347, %dma_start3A_348] : memref<640x64xf32, #tpu.memory_space<vmem>> -> memref<20x64xf32, #tpu.memory_space<vmem>>
    %dma_start3A_350 = arith.constant 0 : i32
    %dma_start3A_351 = arith.constant 0 : i32
    %dma_start3A_352 = tpu.memref_slice %arg4[%add3A_346, %dma_start3A_350, %dma_start3A_351] : memref<1024x20x64xf32, #tpu.memory_space<hbm>> -> memref<1x20x64xf32, #tpu.memory_space<hbm>>
    %dma_start3A_353 = tpu.memref_squeeze %dma_start3A_352 : memref<1x20x64xf32, #tpu.memory_space<hbm>> -> memref<20x64xf32, #tpu.memory_space<hbm>>
    %dma_start3A_354 = arith.constant 0 : i32
    %dma_start3A_355 = arith.constant 0 : i32
    %dma_start3A_356 = tpu.memref_slice %arg4[%add3A_346, %dma_start3A_354, %dma_start3A_355] : memref<1024x20x64xf32, #tpu.memory_space<hbm>> -> memref<1x20x64xf32, #tpu.memory_space<hbm>>
    %dma_start3A_357 = tpu.memref_squeeze %dma_start3A_356 : memref<1x20x64xf32, #tpu.memory_space<hbm>> -> memref<20x64xf32, #tpu.memory_space<hbm>>
    %dma_start3A_358 = arith.constant 420 : i32
    %dma_start3A_359 = arith.constant 0 : i32
    %dma_start3A_360 = tpu.memref_slice %arg6[%dma_start3A_358, %dma_start3A_359] : memref<640x64xf32, #tpu.memory_space<vmem>> -> memref<20x64xf32, #tpu.memory_space<vmem>>
    tpu.enqueue_dma source(%dma_start3A_360 : memref<20x64xf32, #tpu.memory_space<vmem>>) target(%dma_start3A_357 : memref<20x64xf32, #tpu.memory_space<hbm>>) target_semaphore(%arg7 : memref<!tpu.dma_semaphore, #tpu.memory_space<semaphore_mem>>)
    %add3A_361 = arith.constant 22 : i32
    %add3A_362 = arith.addi %mul3A_8, %add3A_361 : i32
    %dma_start3A_363 = arith.constant 440 : i32
    %dma_start3A_364 = arith.constant 0 : i32
    %dma_start3A_365 = tpu.memref_slice %arg6[%dma_start3A_363, %dma_start3A_364] : memref<640x64xf32, #tpu.memory_space<vmem>> -> memref<20x64xf32, #tpu.memory_space<vmem>>
    %dma_start3A_366 = arith.constant 0 : i32
    %dma_start3A_367 = arith.constant 0 : i32
    %dma_start3A_368 = tpu.memref_slice %arg4[%add3A_362, %dma_start3A_366, %dma_start3A_367] : memref<1024x20x64xf32, #tpu.memory_space<hbm>> -> memref<1x20x64xf32, #tpu.memory_space<hbm>>
    %dma_start3A_369 = tpu.memref_squeeze %dma_start3A_368 : memref<1x20x64xf32, #tpu.memory_space<hbm>> -> memref<20x64xf32, #tpu.memory_space<hbm>>
    %dma_start3A_370 = arith.constant 0 : i32
    %dma_start3A_371 = arith.constant 0 : i32
    %dma_start3A_372 = tpu.memref_slice %arg4[%add3A_362, %dma_start3A_370, %dma_start3A_371] : memref<1024x20x64xf32, #tpu.memory_space<hbm>> -> memref<1x20x64xf32, #tpu.memory_space<hbm>>
    %dma_start3A_373 = tpu.memref_squeeze %dma_start3A_372 : memref<1x20x64xf32, #tpu.memory_space<hbm>> -> memref<20x64xf32, #tpu.memory_space<hbm>>
    %dma_start3A_374 = arith.constant 440 : i32
    %dma_start3A_375 = arith.constant 0 : i32
    %dma_start3A_376 = tpu.memref_slice %arg6[%dma_start3A_374, %dma_start3A_375] : memref<640x64xf32, #tpu.memory_space<vmem>> -> memref<20x64xf32, #tpu.memory_space<vmem>>
    tpu.enqueue_dma source(%dma_start3A_376 : memref<20x64xf32, #tpu.memory_space<vmem>>) target(%dma_start3A_373 : memref<20x64xf32, #tpu.memory_space<hbm>>) target_semaphore(%arg7 : memref<!tpu.dma_semaphore, #tpu.memory_space<semaphore_mem>>)
    %add3A_377 = arith.constant 23 : i32
    %add3A_378 = arith.addi %mul3A_8, %add3A_377 : i32
    %dma_start3A_379 = arith.constant 460 : i32
    %dma_start3A_380 = arith.constant 0 : i32
    %dma_start3A_381 = tpu.memref_slice %arg6[%dma_start3A_379, %dma_start3A_380] : memref<640x64xf32, #tpu.memory_space<vmem>> -> memref<20x64xf32, #tpu.memory_space<vmem>>
    %dma_start3A_382 = arith.constant 0 : i32
    %dma_start3A_383 = arith.constant 0 : i32
    %dma_start3A_384 = tpu.memref_slice %arg4[%add3A_378, %dma_start3A_382, %dma_start3A_383] : memref<1024x20x64xf32, #tpu.memory_space<hbm>> -> memref<1x20x64xf32, #tpu.memory_space<hbm>>
    %dma_start3A_385 = tpu.memref_squeeze %dma_start3A_384 : memref<1x20x64xf32, #tpu.memory_space<hbm>> -> memref<20x64xf32, #tpu.memory_space<hbm>>
    %dma_start3A_386 = arith.constant 0 : i32
    %dma_start3A_387 = arith.constant 0 : i32
    %dma_start3A_388 = tpu.memref_slice %arg4[%add3A_378, %dma_start3A_386, %dma_start3A_387] : memref<1024x20x64xf32, #tpu.memory_space<hbm>> -> memref<1x20x64xf32, #tpu.memory_space<hbm>>
    %dma_start3A_389 = tpu.memref_squeeze %dma_start3A_388 : memref<1x20x64xf32, #tpu.memory_space<hbm>> -> memref<20x64xf32, #tpu.memory_space<hbm>>
    %dma_start3A_390 = arith.constant 460 : i32
    %dma_start3A_391 = arith.constant 0 : i32
    %dma_start3A_392 = tpu.memref_slice %arg6[%dma_start3A_390, %dma_start3A_391] : memref<640x64xf32, #tpu.memory_space<vmem>> -> memref<20x64xf32, #tpu.memory_space<vmem>>
    tpu.enqueue_dma source(%dma_start3A_392 : memref<20x64xf32, #tpu.memory_space<vmem>>) target(%dma_start3A_389 : memref<20x64xf32, #tpu.memory_space<hbm>>) target_semaphore(%arg7 : memref<!tpu.dma_semaphore, #tpu.memory_space<semaphore_mem>>)
    %add3A_393 = arith.constant 24 : i32
    %add3A_394 = arith.addi %mul3A_8, %add3A_393 : i32
    %dma_start3A_395 = arith.constant 480 : i32
    %dma_start3A_396 = arith.constant 0 : i32
    %dma_start3A_397 = tpu.memref_slice %arg6[%dma_start3A_395, %dma_start3A_396] : memref<640x64xf32, #tpu.memory_space<vmem>> -> memref<20x64xf32, #tpu.memory_space<vmem>>
    %dma_start3A_398 = arith.constant 0 : i32
    %dma_start3A_399 = arith.constant 0 : i32
    %dma_start3A_400 = tpu.memref_slice %arg4[%add3A_394, %dma_start3A_398, %dma_start3A_399] : memref<1024x20x64xf32, #tpu.memory_space<hbm>> -> memref<1x20x64xf32, #tpu.memory_space<hbm>>
    %dma_start3A_401 = tpu.memref_squeeze %dma_start3A_400 : memref<1x20x64xf32, #tpu.memory_space<hbm>> -> memref<20x64xf32, #tpu.memory_space<hbm>>
    %dma_start3A_402 = arith.constant 0 : i32
    %dma_start3A_403 = arith.constant 0 : i32
    %dma_start3A_404 = tpu.memref_slice %arg4[%add3A_394, %dma_start3A_402, %dma_start3A_403] : memref<1024x20x64xf32, #tpu.memory_space<hbm>> -> memref<1x20x64xf32, #tpu.memory_space<hbm>>
    %dma_start3A_405 = tpu.memref_squeeze %dma_start3A_404 : memref<1x20x64xf32, #tpu.memory_space<hbm>> -> memref<20x64xf32, #tpu.memory_space<hbm>>
    %dma_start3A_406 = arith.constant 480 : i32
    %dma_start3A_407 = arith.constant 0 : i32
    %dma_start3A_408 = tpu.memref_slice %arg6[%dma_start3A_406, %dma_start3A_407] : memref<640x64xf32, #tpu.memory_space<vmem>> -> memref<20x64xf32, #tpu.memory_space<vmem>>
    tpu.enqueue_dma source(%dma_start3A_408 : memref<20x64xf32, #tpu.memory_space<vmem>>) target(%dma_start3A_405 : memref<20x64xf32, #tpu.memory_space<hbm>>) target_semaphore(%arg7 : memref<!tpu.dma_semaphore, #tpu.memory_space<semaphore_mem>>)
    %add3A_409 = arith.constant 25 : i32
    %add3A_410 = arith.addi %mul3A_8, %add3A_409 : i32
    %dma_start3A_411 = arith.constant 500 : i32
    %dma_start3A_412 = arith.constant 0 : i32
    %dma_start3A_413 = tpu.memref_slice %arg6[%dma_start3A_411, %dma_start3A_412] : memref<640x64xf32, #tpu.memory_space<vmem>> -> memref<20x64xf32, #tpu.memory_space<vmem>>
    %dma_start3A_414 = arith.constant 0 : i32
    %dma_start3A_415 = arith.constant 0 : i32
    %dma_start3A_416 = tpu.memref_slice %arg4[%add3A_410, %dma_start3A_414, %dma_start3A_415] : memref<1024x20x64xf32, #tpu.memory_space<hbm>> -> memref<1x20x64xf32, #tpu.memory_space<hbm>>
    %dma_start3A_417 = tpu.memref_squeeze %dma_start3A_416 : memref<1x20x64xf32, #tpu.memory_space<hbm>> -> memref<20x64xf32, #tpu.memory_space<hbm>>
    %dma_start3A_418 = arith.constant 0 : i32
    %dma_start3A_419 = arith.constant 0 : i32
    %dma_start3A_420 = tpu.memref_slice %arg4[%add3A_410, %dma_start3A_418, %dma_start3A_419] : memref<1024x20x64xf32, #tpu.memory_space<hbm>> -> memref<1x20x64xf32, #tpu.memory_space<hbm>>
    %dma_start3A_421 = tpu.memref_squeeze %dma_start3A_420 : memref<1x20x64xf32, #tpu.memory_space<hbm>> -> memref<20x64xf32, #tpu.memory_space<hbm>>
    %dma_start3A_422 = arith.constant 500 : i32
    %dma_start3A_423 = arith.constant 0 : i32
    %dma_start3A_424 = tpu.memref_slice %arg6[%dma_start3A_422, %dma_start3A_423] : memref<640x64xf32, #tpu.memory_space<vmem>> -> memref<20x64xf32, #tpu.memory_space<vmem>>
    tpu.enqueue_dma source(%dma_start3A_424 : memref<20x64xf32, #tpu.memory_space<vmem>>) target(%dma_start3A_421 : memref<20x64xf32, #tpu.memory_space<hbm>>) target_semaphore(%arg7 : memref<!tpu.dma_semaphore, #tpu.memory_space<semaphore_mem>>)
    %add3A_425 = arith.constant 26 : i32
    %add3A_426 = arith.addi %mul3A_8, %add3A_425 : i32
    %dma_start3A_427 = arith.constant 520 : i32
    %dma_start3A_428 = arith.constant 0 : i32
    %dma_start3A_429 = tpu.memref_slice %arg6[%dma_start3A_427, %dma_start3A_428] : memref<640x64xf32, #tpu.memory_space<vmem>> -> memref<20x64xf32, #tpu.memory_space<vmem>>
    %dma_start3A_430 = arith.constant 0 : i32
    %dma_start3A_431 = arith.constant 0 : i32
    %dma_start3A_432 = tpu.memref_slice %arg4[%add3A_426, %dma_start3A_430, %dma_start3A_431] : memref<1024x20x64xf32, #tpu.memory_space<hbm>> -> memref<1x20x64xf32, #tpu.memory_space<hbm>>
    %dma_start3A_433 = tpu.memref_squeeze %dma_start3A_432 : memref<1x20x64xf32, #tpu.memory_space<hbm>> -> memref<20x64xf32, #tpu.memory_space<hbm>>
    %dma_start3A_434 = arith.constant 0 : i32
    %dma_start3A_435 = arith.constant 0 : i32
    %dma_start3A_436 = tpu.memref_slice %arg4[%add3A_426, %dma_start3A_434, %dma_start3A_435] : memref<1024x20x64xf32, #tpu.memory_space<hbm>> -> memref<1x20x64xf32, #tpu.memory_space<hbm>>
    %dma_start3A_437 = tpu.memref_squeeze %dma_start3A_436 : memref<1x20x64xf32, #tpu.memory_space<hbm>> -> memref<20x64xf32, #tpu.memory_space<hbm>>
    %dma_start3A_438 = arith.constant 520 : i32
    %dma_start3A_439 = arith.constant 0 : i32
    %dma_start3A_440 = tpu.memref_slice %arg6[%dma_start3A_438, %dma_start3A_439] : memref<640x64xf32, #tpu.memory_space<vmem>> -> memref<20x64xf32, #tpu.memory_space<vmem>>
    tpu.enqueue_dma source(%dma_start3A_440 : memref<20x64xf32, #tpu.memory_space<vmem>>) target(%dma_start3A_437 : memref<20x64xf32, #tpu.memory_space<hbm>>) target_semaphore(%arg7 : memref<!tpu.dma_semaphore, #tpu.memory_space<semaphore_mem>>)
    %add3A_441 = arith.constant 27 : i32
    %add3A_442 = arith.addi %mul3A_8, %add3A_441 : i32
    %dma_start3A_443 = arith.constant 540 : i32
    %dma_start3A_444 = arith.constant 0 : i32
    %dma_start3A_445 = tpu.memref_slice %arg6[%dma_start3A_443, %dma_start3A_444] : memref<640x64xf32, #tpu.memory_space<vmem>> -> memref<20x64xf32, #tpu.memory_space<vmem>>
    %dma_start3A_446 = arith.constant 0 : i32
    %dma_start3A_447 = arith.constant 0 : i32
    %dma_start3A_448 = tpu.memref_slice %arg4[%add3A_442, %dma_start3A_446, %dma_start3A_447] : memref<1024x20x64xf32, #tpu.memory_space<hbm>> -> memref<1x20x64xf32, #tpu.memory_space<hbm>>
    %dma_start3A_449 = tpu.memref_squeeze %dma_start3A_448 : memref<1x20x64xf32, #tpu.memory_space<hbm>> -> memref<20x64xf32, #tpu.memory_space<hbm>>
    %dma_start3A_450 = arith.constant 0 : i32
    %dma_start3A_451 = arith.constant 0 : i32
    %dma_start3A_452 = tpu.memref_slice %arg4[%add3A_442, %dma_start3A_450, %dma_start3A_451] : memref<1024x20x64xf32, #tpu.memory_space<hbm>> -> memref<1x20x64xf32, #tpu.memory_space<hbm>>
    %dma_start3A_453 = tpu.memref_squeeze %dma_start3A_452 : memref<1x20x64xf32, #tpu.memory_space<hbm>> -> memref<20x64xf32, #tpu.memory_space<hbm>>
    %dma_start3A_454 = arith.constant 540 : i32
    %dma_start3A_455 = arith.constant 0 : i32
    %dma_start3A_456 = tpu.memref_slice %arg6[%dma_start3A_454, %dma_start3A_455] : memref<640x64xf32, #tpu.memory_space<vmem>> -> memref<20x64xf32, #tpu.memory_space<vmem>>
    tpu.enqueue_dma source(%dma_start3A_456 : memref<20x64xf32, #tpu.memory_space<vmem>>) target(%dma_start3A_453 : memref<20x64xf32, #tpu.memory_space<hbm>>) target_semaphore(%arg7 : memref<!tpu.dma_semaphore, #tpu.memory_space<semaphore_mem>>)
    %add3A_457 = arith.constant 28 : i32
    %add3A_458 = arith.addi %mul3A_8, %add3A_457 : i32
    %dma_start3A_459 = arith.constant 560 : i32
    %dma_start3A_460 = arith.constant 0 : i32
    %dma_start3A_461 = tpu.memref_slice %arg6[%dma_start3A_459, %dma_start3A_460] : memref<640x64xf32, #tpu.memory_space<vmem>> -> memref<20x64xf32, #tpu.memory_space<vmem>>
    %dma_start3A_462 = arith.constant 0 : i32
    %dma_start3A_463 = arith.constant 0 : i32
    %dma_start3A_464 = tpu.memref_slice %arg4[%add3A_458, %dma_start3A_462, %dma_start3A_463] : memref<1024x20x64xf32, #tpu.memory_space<hbm>> -> memref<1x20x64xf32, #tpu.memory_space<hbm>>
    %dma_start3A_465 = tpu.memref_squeeze %dma_start3A_464 : memref<1x20x64xf32, #tpu.memory_space<hbm>> -> memref<20x64xf32, #tpu.memory_space<hbm>>
    %dma_start3A_466 = arith.constant 0 : i32
    %dma_start3A_467 = arith.constant 0 : i32
    %dma_start3A_468 = tpu.memref_slice %arg4[%add3A_458, %dma_start3A_466, %dma_start3A_467] : memref<1024x20x64xf32, #tpu.memory_space<hbm>> -> memref<1x20x64xf32, #tpu.memory_space<hbm>>
    %dma_start3A_469 = tpu.memref_squeeze %dma_start3A_468 : memref<1x20x64xf32, #tpu.memory_space<hbm>> -> memref<20x64xf32, #tpu.memory_space<hbm>>
    %dma_start3A_470 = arith.constant 560 : i32
    %dma_start3A_471 = arith.constant 0 : i32
    %dma_start3A_472 = tpu.memref_slice %arg6[%dma_start3A_470, %dma_start3A_471] : memref<640x64xf32, #tpu.memory_space<vmem>> -> memref<20x64xf32, #tpu.memory_space<vmem>>
    tpu.enqueue_dma source(%dma_start3A_472 : memref<20x64xf32, #tpu.memory_space<vmem>>) target(%dma_start3A_469 : memref<20x64xf32, #tpu.memory_space<hbm>>) target_semaphore(%arg7 : memref<!tpu.dma_semaphore, #tpu.memory_space<semaphore_mem>>)
    %add3A_473 = arith.constant 29 : i32
    %add3A_474 = arith.addi %mul3A_8, %add3A_473 : i32
    %dma_start3A_475 = arith.constant 580 : i32
    %dma_start3A_476 = arith.constant 0 : i32
    %dma_start3A_477 = tpu.memref_slice %arg6[%dma_start3A_475, %dma_start3A_476] : memref<640x64xf32, #tpu.memory_space<vmem>> -> memref<20x64xf32, #tpu.memory_space<vmem>>
    %dma_start3A_478 = arith.constant 0 : i32
    %dma_start3A_479 = arith.constant 0 : i32
    %dma_start3A_480 = tpu.memref_slice %arg4[%add3A_474, %dma_start3A_478, %dma_start3A_479] : memref<1024x20x64xf32, #tpu.memory_space<hbm>> -> memref<1x20x64xf32, #tpu.memory_space<hbm>>
    %dma_start3A_481 = tpu.memref_squeeze %dma_start3A_480 : memref<1x20x64xf32, #tpu.memory_space<hbm>> -> memref<20x64xf32, #tpu.memory_space<hbm>>
    %dma_start3A_482 = arith.constant 0 : i32
    %dma_start3A_483 = arith.constant 0 : i32
    %dma_start3A_484 = tpu.memref_slice %arg4[%add3A_474, %dma_start3A_482, %dma_start3A_483] : memref<1024x20x64xf32, #tpu.memory_space<hbm>> -> memref<1x20x64xf32, #tpu.memory_space<hbm>>
    %dma_start3A_485 = tpu.memref_squeeze %dma_start3A_484 : memref<1x20x64xf32, #tpu.memory_space<hbm>> -> memref<20x64xf32, #tpu.memory_space<hbm>>
    %dma_start3A_486 = arith.constant 580 : i32
    %dma_start3A_487 = arith.constant 0 : i32
    %dma_start3A_488 = tpu.memref_slice %arg6[%dma_start3A_486, %dma_start3A_487] : memref<640x64xf32, #tpu.memory_space<vmem>> -> memref<20x64xf32, #tpu.memory_space<vmem>>
    tpu.enqueue_dma source(%dma_start3A_488 : memref<20x64xf32, #tpu.memory_space<vmem>>) target(%dma_start3A_485 : memref<20x64xf32, #tpu.memory_space<hbm>>) target_semaphore(%arg7 : memref<!tpu.dma_semaphore, #tpu.memory_space<semaphore_mem>>)
    %add3A_489 = arith.constant 30 : i32
    %add3A_490 = arith.addi %mul3A_8, %add3A_489 : i32
    %dma_start3A_491 = arith.constant 600 : i32
    %dma_start3A_492 = arith.constant 0 : i32
    %dma_start3A_493 = tpu.memref_slice %arg6[%dma_start3A_491, %dma_start3A_492] : memref<640x64xf32, #tpu.memory_space<vmem>> -> memref<20x64xf32, #tpu.memory_space<vmem>>
    %dma_start3A_494 = arith.constant 0 : i32
    %dma_start3A_495 = arith.constant 0 : i32
    %dma_start3A_496 = tpu.memref_slice %arg4[%add3A_490, %dma_start3A_494, %dma_start3A_495] : memref<1024x20x64xf32, #tpu.memory_space<hbm>> -> memref<1x20x64xf32, #tpu.memory_space<hbm>>
    %dma_start3A_497 = tpu.memref_squeeze %dma_start3A_496 : memref<1x20x64xf32, #tpu.memory_space<hbm>> -> memref<20x64xf32, #tpu.memory_space<hbm>>
    %dma_start3A_498 = arith.constant 0 : i32
    %dma_start3A_499 = arith.constant 0 : i32
    %dma_start3A_500 = tpu.memref_slice %arg4[%add3A_490, %dma_start3A_498, %dma_start3A_499] : memref<1024x20x64xf32, #tpu.memory_space<hbm>> -> memref<1x20x64xf32, #tpu.memory_space<hbm>>
    %dma_start3A_501 = tpu.memref_squeeze %dma_start3A_500 : memref<1x20x64xf32, #tpu.memory_space<hbm>> -> memref<20x64xf32, #tpu.memory_space<hbm>>
    %dma_start3A_502 = arith.constant 600 : i32
    %dma_start3A_503 = arith.constant 0 : i32
    %dma_start3A_504 = tpu.memref_slice %arg6[%dma_start3A_502, %dma_start3A_503] : memref<640x64xf32, #tpu.memory_space<vmem>> -> memref<20x64xf32, #tpu.memory_space<vmem>>
    tpu.enqueue_dma source(%dma_start3A_504 : memref<20x64xf32, #tpu.memory_space<vmem>>) target(%dma_start3A_501 : memref<20x64xf32, #tpu.memory_space<hbm>>) target_semaphore(%arg7 : memref<!tpu.dma_semaphore, #tpu.memory_space<semaphore_mem>>)
    %add3A_505 = arith.constant 31 : i32
    %add3A_506 = arith.addi %mul3A_8, %add3A_505 : i32
    %dma_start3A_507 = arith.constant 620 : i32
    %dma_start3A_508 = arith.constant 0 : i32
    %dma_start3A_509 = tpu.memref_slice %arg6[%dma_start3A_507, %dma_start3A_508] : memref<640x64xf32, #tpu.memory_space<vmem>> -> memref<20x64xf32, #tpu.memory_space<vmem>>
    %dma_start3A_510 = arith.constant 0 : i32
    %dma_start3A_511 = arith.constant 0 : i32
    %dma_start3A_512 = tpu.memref_slice %arg4[%add3A_506, %dma_start3A_510, %dma_start3A_511] : memref<1024x20x64xf32, #tpu.memory_space<hbm>> -> memref<1x20x64xf32, #tpu.memory_space<hbm>>
    %dma_start3A_513 = tpu.memref_squeeze %dma_start3A_512 : memref<1x20x64xf32, #tpu.memory_space<hbm>> -> memref<20x64xf32, #tpu.memory_space<hbm>>
    %dma_start3A_514 = arith.constant 0 : i32
    %dma_start3A_515 = arith.constant 0 : i32
    %dma_start3A_516 = tpu.memref_slice %arg4[%add3A_506, %dma_start3A_514, %dma_start3A_515] : memref<1024x20x64xf32, #tpu.memory_space<hbm>> -> memref<1x20x64xf32, #tpu.memory_space<hbm>>
    %dma_start3A_517 = tpu.memref_squeeze %dma_start3A_516 : memref<1x20x64xf32, #tpu.memory_space<hbm>> -> memref<20x64xf32, #tpu.memory_space<hbm>>
    %dma_start3A_518 = arith.constant 620 : i32
    %dma_start3A_519 = arith.constant 0 : i32
    %dma_start3A_520 = tpu.memref_slice %arg6[%dma_start3A_518, %dma_start3A_519] : memref<640x64xf32, #tpu.memory_space<vmem>> -> memref<20x64xf32, #tpu.memory_space<vmem>>
    tpu.enqueue_dma source(%dma_start3A_520 : memref<20x64xf32, #tpu.memory_space<vmem>>) target(%dma_start3A_517 : memref<20x64xf32, #tpu.memory_space<hbm>>) target_semaphore(%arg7 : memref<!tpu.dma_semaphore, #tpu.memory_space<semaphore_mem>>)
    %dma_wait3A_521 = arith.constant 0 : i32
    %dma_wait3A_522 = arith.constant 0 : i32
    %dma_wait3A_523 = tpu.memref_slice %arg6[%dma_wait3A_521, %dma_wait3A_522] : memref<640x64xf32, #tpu.memory_space<vmem>> -> memref<20x64xf32, #tpu.memory_space<vmem>>
    %dma_wait3A_524 = arith.constant 0 : i32
    %dma_wait3A_525 = arith.constant 0 : i32
    %dma_wait3A_526 = tpu.memref_slice %arg4[%add3A_10, %dma_wait3A_524, %dma_wait3A_525] : memref<1024x20x64xf32, #tpu.memory_space<hbm>> -> memref<1x20x64xf32, #tpu.memory_space<hbm>>
    %dma_wait3A_527 = tpu.memref_squeeze %dma_wait3A_526 : memref<1x20x64xf32, #tpu.memory_space<hbm>> -> memref<20x64xf32, #tpu.memory_space<hbm>>
    %dma_wait3A_528 = arith.constant 0 : i32
    %dma_wait3A_529 = arith.constant 0 : i32
    %dma_wait3A_530 = tpu.memref_slice %arg4[%add3A_10, %dma_wait3A_528, %dma_wait3A_529] : memref<1024x20x64xf32, #tpu.memory_space<hbm>> -> memref<1x20x64xf32, #tpu.memory_space<hbm>>
    %dma_wait3A_531 = tpu.memref_squeeze %dma_wait3A_530 : memref<1x20x64xf32, #tpu.memory_space<hbm>> -> memref<20x64xf32, #tpu.memory_space<hbm>>
    %dma_wait3A_532 = arith.constant 0 : i32
    %dma_wait3A_533 = arith.constant 0 : i32
    %dma_wait3A_534 = tpu.memref_slice %arg6[%dma_wait3A_532, %dma_wait3A_533] : memref<640x64xf32, #tpu.memory_space<vmem>> -> memref<20x64xf32, #tpu.memory_space<vmem>>
    tpu.wait_dma2 semaphore(%arg7 : memref<!tpu.dma_semaphore, #tpu.memory_space<semaphore_mem>>) src(%dma_wait3A_534 : memref<20x64xf32, #tpu.memory_space<vmem>>) dst(%dma_wait3A_531 : memref<20x64xf32, #tpu.memory_space<hbm>>)
    %dma_wait3A_535 = arith.constant 20 : i32
    %dma_wait3A_536 = arith.constant 0 : i32
    %dma_wait3A_537 = tpu.memref_slice %arg6[%dma_wait3A_535, %dma_wait3A_536] : memref<640x64xf32, #tpu.memory_space<vmem>> -> memref<20x64xf32, #tpu.memory_space<vmem>>
    %dma_wait3A_538 = arith.constant 0 : i32
    %dma_wait3A_539 = arith.constant 0 : i32
    %dma_wait3A_540 = tpu.memref_slice %arg4[%add3A_26, %dma_wait3A_538, %dma_wait3A_539] : memref<1024x20x64xf32, #tpu.memory_space<hbm>> -> memref<1x20x64xf32, #tpu.memory_space<hbm>>
    %dma_wait3A_541 = tpu.memref_squeeze %dma_wait3A_540 : memref<1x20x64xf32, #tpu.memory_space<hbm>> -> memref<20x64xf32, #tpu.memory_space<hbm>>
    %dma_wait3A_542 = arith.constant 0 : i32
    %dma_wait3A_543 = arith.constant 0 : i32
    %dma_wait3A_544 = tpu.memref_slice %arg4[%add3A_26, %dma_wait3A_542, %dma_wait3A_543] : memref<1024x20x64xf32, #tpu.memory_space<hbm>> -> memref<1x20x64xf32, #tpu.memory_space<hbm>>
    %dma_wait3A_545 = tpu.memref_squeeze %dma_wait3A_544 : memref<1x20x64xf32, #tpu.memory_space<hbm>> -> memref<20x64xf32, #tpu.memory_space<hbm>>
    %dma_wait3A_546 = arith.constant 20 : i32
    %dma_wait3A_547 = arith.constant 0 : i32
    %dma_wait3A_548 = tpu.memref_slice %arg6[%dma_wait3A_546, %dma_wait3A_547] : memref<640x64xf32, #tpu.memory_space<vmem>> -> memref<20x64xf32, #tpu.memory_space<vmem>>
    tpu.wait_dma2 semaphore(%arg7 : memref<!tpu.dma_semaphore, #tpu.memory_space<semaphore_mem>>) src(%dma_wait3A_548 : memref<20x64xf32, #tpu.memory_space<vmem>>) dst(%dma_wait3A_545 : memref<20x64xf32, #tpu.memory_space<hbm>>)
    %dma_wait3A_549 = arith.constant 40 : i32
    %dma_wait3A_550 = arith.constant 0 : i32
    %dma_wait3A_551 = tpu.memref_slice %arg6[%dma_wait3A_549, %dma_wait3A_550] : memref<640x64xf32, #tpu.memory_space<vmem>> -> memref<20x64xf32, #tpu.memory_space<vmem>>
    %dma_wait3A_552 = arith.constant 0 : i32
    %dma_wait3A_553 = arith.constant 0 : i32
    %dma_wait3A_554 = tpu.memref_slice %arg4[%add3A_42, %dma_wait3A_552, %dma_wait3A_553] : memref<1024x20x64xf32, #tpu.memory_space<hbm>> -> memref<1x20x64xf32, #tpu.memory_space<hbm>>
    %dma_wait3A_555 = tpu.memref_squeeze %dma_wait3A_554 : memref<1x20x64xf32, #tpu.memory_space<hbm>> -> memref<20x64xf32, #tpu.memory_space<hbm>>
    %dma_wait3A_556 = arith.constant 0 : i32
    %dma_wait3A_557 = arith.constant 0 : i32
    %dma_wait3A_558 = tpu.memref_slice %arg4[%add3A_42, %dma_wait3A_556, %dma_wait3A_557] : memref<1024x20x64xf32, #tpu.memory_space<hbm>> -> memref<1x20x64xf32, #tpu.memory_space<hbm>>
    %dma_wait3A_559 = tpu.memref_squeeze %dma_wait3A_558 : memref<1x20x64xf32, #tpu.memory_space<hbm>> -> memref<20x64xf32, #tpu.memory_space<hbm>>
    %dma_wait3A_560 = arith.constant 40 : i32
    %dma_wait3A_561 = arith.constant 0 : i32
    %dma_wait3A_562 = tpu.memref_slice %arg6[%dma_wait3A_560, %dma_wait3A_561] : memref<640x64xf32, #tpu.memory_space<vmem>> -> memref<20x64xf32, #tpu.memory_space<vmem>>
    tpu.wait_dma2 semaphore(%arg7 : memref<!tpu.dma_semaphore, #tpu.memory_space<semaphore_mem>>) src(%dma_wait3A_562 : memref<20x64xf32, #tpu.memory_space<vmem>>) dst(%dma_wait3A_559 : memref<20x64xf32, #tpu.memory_space<hbm>>)
    %dma_wait3A_563 = arith.constant 60 : i32
    %dma_wait3A_564 = arith.constant 0 : i32
    %dma_wait3A_565 = tpu.memref_slice %arg6[%dma_wait3A_563, %dma_wait3A_564] : memref<640x64xf32, #tpu.memory_space<vmem>> -> memref<20x64xf32, #tpu.memory_space<vmem>>
    %dma_wait3A_566 = arith.constant 0 : i32
    %dma_wait3A_567 = arith.constant 0 : i32
    %dma_wait3A_568 = tpu.memref_slice %arg4[%add3A_58, %dma_wait3A_566, %dma_wait3A_567] : memref<1024x20x64xf32, #tpu.memory_space<hbm>> -> memref<1x20x64xf32, #tpu.memory_space<hbm>>
    %dma_wait3A_569 = tpu.memref_squeeze %dma_wait3A_568 : memref<1x20x64xf32, #tpu.memory_space<hbm>> -> memref<20x64xf32, #tpu.memory_space<hbm>>
    %dma_wait3A_570 = arith.constant 0 : i32
    %dma_wait3A_571 = arith.constant 0 : i32
    %dma_wait3A_572 = tpu.memref_slice %arg4[%add3A_58, %dma_wait3A_570, %dma_wait3A_571] : memref<1024x20x64xf32, #tpu.memory_space<hbm>> -> memref<1x20x64xf32, #tpu.memory_space<hbm>>
    %dma_wait3A_573 = tpu.memref_squeeze %dma_wait3A_572 : memref<1x20x64xf32, #tpu.memory_space<hbm>> -> memref<20x64xf32, #tpu.memory_space<hbm>>
    %dma_wait3A_574 = arith.constant 60 : i32
    %dma_wait3A_575 = arith.constant 0 : i32
    %dma_wait3A_576 = tpu.memref_slice %arg6[%dma_wait3A_574, %dma_wait3A_575] : memref<640x64xf32, #tpu.memory_space<vmem>> -> memref<20x64xf32, #tpu.memory_space<vmem>>
    tpu.wait_dma2 semaphore(%arg7 : memref<!tpu.dma_semaphore, #tpu.memory_space<semaphore_mem>>) src(%dma_wait3A_576 : memref<20x64xf32, #tpu.memory_space<vmem>>) dst(%dma_wait3A_573 : memref<20x64xf32, #tpu.memory_space<hbm>>)
    %dma_wait3A_577 = arith.constant 80 : i32
    %dma_wait3A_578 = arith.constant 0 : i32
    %dma_wait3A_579 = tpu.memref_slice %arg6[%dma_wait3A_577, %dma_wait3A_578] : memref<640x64xf32, #tpu.memory_space<vmem>> -> memref<20x64xf32, #tpu.memory_space<vmem>>
    %dma_wait3A_580 = arith.constant 0 : i32
    %dma_wait3A_581 = arith.constant 0 : i32
    %dma_wait3A_582 = tpu.memref_slice %arg4[%add3A_74, %dma_wait3A_580, %dma_wait3A_581] : memref<1024x20x64xf32, #tpu.memory_space<hbm>> -> memref<1x20x64xf32, #tpu.memory_space<hbm>>
    %dma_wait3A_583 = tpu.memref_squeeze %dma_wait3A_582 : memref<1x20x64xf32, #tpu.memory_space<hbm>> -> memref<20x64xf32, #tpu.memory_space<hbm>>
    %dma_wait3A_584 = arith.constant 0 : i32
    %dma_wait3A_585 = arith.constant 0 : i32
    %dma_wait3A_586 = tpu.memref_slice %arg4[%add3A_74, %dma_wait3A_584, %dma_wait3A_585] : memref<1024x20x64xf32, #tpu.memory_space<hbm>> -> memref<1x20x64xf32, #tpu.memory_space<hbm>>
    %dma_wait3A_587 = tpu.memref_squeeze %dma_wait3A_586 : memref<1x20x64xf32, #tpu.memory_space<hbm>> -> memref<20x64xf32, #tpu.memory_space<hbm>>
    %dma_wait3A_588 = arith.constant 80 : i32
    %dma_wait3A_589 = arith.constant 0 : i32
    %dma_wait3A_590 = tpu.memref_slice %arg6[%dma_wait3A_588, %dma_wait3A_589] : memref<640x64xf32, #tpu.memory_space<vmem>> -> memref<20x64xf32, #tpu.memory_space<vmem>>
    tpu.wait_dma2 semaphore(%arg7 : memref<!tpu.dma_semaphore, #tpu.memory_space<semaphore_mem>>) src(%dma_wait3A_590 : memref<20x64xf32, #tpu.memory_space<vmem>>) dst(%dma_wait3A_587 : memref<20x64xf32, #tpu.memory_space<hbm>>)
    %dma_wait3A_591 = arith.constant 100 : i32
    %dma_wait3A_592 = arith.constant 0 : i32
    %dma_wait3A_593 = tpu.memref_slice %arg6[%dma_wait3A_591, %dma_wait3A_592] : memref<640x64xf32, #tpu.memory_space<vmem>> -> memref<20x64xf32, #tpu.memory_space<vmem>>
    %dma_wait3A_594 = arith.constant 0 : i32
    %dma_wait3A_595 = arith.constant 0 : i32
    %dma_wait3A_596 = tpu.memref_slice %arg4[%add3A_90, %dma_wait3A_594, %dma_wait3A_595] : memref<1024x20x64xf32, #tpu.memory_space<hbm>> -> memref<1x20x64xf32, #tpu.memory_space<hbm>>
    %dma_wait3A_597 = tpu.memref_squeeze %dma_wait3A_596 : memref<1x20x64xf32, #tpu.memory_space<hbm>> -> memref<20x64xf32, #tpu.memory_space<hbm>>
    %dma_wait3A_598 = arith.constant 0 : i32
    %dma_wait3A_599 = arith.constant 0 : i32
    %dma_wait3A_600 = tpu.memref_slice %arg4[%add3A_90, %dma_wait3A_598, %dma_wait3A_599] : memref<1024x20x64xf32, #tpu.memory_space<hbm>> -> memref<1x20x64xf32, #tpu.memory_space<hbm>>
    %dma_wait3A_601 = tpu.memref_squeeze %dma_wait3A_600 : memref<1x20x64xf32, #tpu.memory_space<hbm>> -> memref<20x64xf32, #tpu.memory_space<hbm>>
    %dma_wait3A_602 = arith.constant 100 : i32
    %dma_wait3A_603 = arith.constant 0 : i32
    %dma_wait3A_604 = tpu.memref_slice %arg6[%dma_wait3A_602, %dma_wait3A_603] : memref<640x64xf32, #tpu.memory_space<vmem>> -> memref<20x64xf32, #tpu.memory_space<vmem>>
    tpu.wait_dma2 semaphore(%arg7 : memref<!tpu.dma_semaphore, #tpu.memory_space<semaphore_mem>>) src(%dma_wait3A_604 : memref<20x64xf32, #tpu.memory_space<vmem>>) dst(%dma_wait3A_601 : memref<20x64xf32, #tpu.memory_space<hbm>>)
    %dma_wait3A_605 = arith.constant 120 : i32
    %dma_wait3A_606 = arith.constant 0 : i32
    %dma_wait3A_607 = tpu.memref_slice %arg6[%dma_wait3A_605, %dma_wait3A_606] : memref<640x64xf32, #tpu.memory_space<vmem>> -> memref<20x64xf32, #tpu.memory_space<vmem>>
    %dma_wait3A_608 = arith.constant 0 : i32
    %dma_wait3A_609 = arith.constant 0 : i32
    %dma_wait3A_610 = tpu.memref_slice %arg4[%add3A_106, %dma_wait3A_608, %dma_wait3A_609] : memref<1024x20x64xf32, #tpu.memory_space<hbm>> -> memref<1x20x64xf32, #tpu.memory_space<hbm>>
    %dma_wait3A_611 = tpu.memref_squeeze %dma_wait3A_610 : memref<1x20x64xf32, #tpu.memory_space<hbm>> -> memref<20x64xf32, #tpu.memory_space<hbm>>
    %dma_wait3A_612 = arith.constant 0 : i32
    %dma_wait3A_613 = arith.constant 0 : i32
    %dma_wait3A_614 = tpu.memref_slice %arg4[%add3A_106, %dma_wait3A_612, %dma_wait3A_613] : memref<1024x20x64xf32, #tpu.memory_space<hbm>> -> memref<1x20x64xf32, #tpu.memory_space<hbm>>
    %dma_wait3A_615 = tpu.memref_squeeze %dma_wait3A_614 : memref<1x20x64xf32, #tpu.memory_space<hbm>> -> memref<20x64xf32, #tpu.memory_space<hbm>>
    %dma_wait3A_616 = arith.constant 120 : i32
    %dma_wait3A_617 = arith.constant 0 : i32
    %dma_wait3A_618 = tpu.memref_slice %arg6[%dma_wait3A_616, %dma_wait3A_617] : memref<640x64xf32, #tpu.memory_space<vmem>> -> memref<20x64xf32, #tpu.memory_space<vmem>>
    tpu.wait_dma2 semaphore(%arg7 : memref<!tpu.dma_semaphore, #tpu.memory_space<semaphore_mem>>) src(%dma_wait3A_618 : memref<20x64xf32, #tpu.memory_space<vmem>>) dst(%dma_wait3A_615 : memref<20x64xf32, #tpu.memory_space<hbm>>)
    %dma_wait3A_619 = arith.constant 140 : i32
    %dma_wait3A_620 = arith.constant 0 : i32
    %dma_wait3A_621 = tpu.memref_slice %arg6[%dma_wait3A_619, %dma_wait3A_620] : memref<640x64xf32, #tpu.memory_space<vmem>> -> memref<20x64xf32, #tpu.memory_space<vmem>>
    %dma_wait3A_622 = arith.constant 0 : i32
    %dma_wait3A_623 = arith.constant 0 : i32
    %dma_wait3A_624 = tpu.memref_slice %arg4[%add3A_122, %dma_wait3A_622, %dma_wait3A_623] : memref<1024x20x64xf32, #tpu.memory_space<hbm>> -> memref<1x20x64xf32, #tpu.memory_space<hbm>>
    %dma_wait3A_625 = tpu.memref_squeeze %dma_wait3A_624 : memref<1x20x64xf32, #tpu.memory_space<hbm>> -> memref<20x64xf32, #tpu.memory_space<hbm>>
    %dma_wait3A_626 = arith.constant 0 : i32
    %dma_wait3A_627 = arith.constant 0 : i32
    %dma_wait3A_628 = tpu.memref_slice %arg4[%add3A_122, %dma_wait3A_626, %dma_wait3A_627] : memref<1024x20x64xf32, #tpu.memory_space<hbm>> -> memref<1x20x64xf32, #tpu.memory_space<hbm>>
    %dma_wait3A_629 = tpu.memref_squeeze %dma_wait3A_628 : memref<1x20x64xf32, #tpu.memory_space<hbm>> -> memref<20x64xf32, #tpu.memory_space<hbm>>
    %dma_wait3A_630 = arith.constant 140 : i32
    %dma_wait3A_631 = arith.constant 0 : i32
    %dma_wait3A_632 = tpu.memref_slice %arg6[%dma_wait3A_630, %dma_wait3A_631] : memref<640x64xf32, #tpu.memory_space<vmem>> -> memref<20x64xf32, #tpu.memory_space<vmem>>
    tpu.wait_dma2 semaphore(%arg7 : memref<!tpu.dma_semaphore, #tpu.memory_space<semaphore_mem>>) src(%dma_wait3A_632 : memref<20x64xf32, #tpu.memory_space<vmem>>) dst(%dma_wait3A_629 : memref<20x64xf32, #tpu.memory_space<hbm>>)
    %dma_wait3A_633 = arith.constant 160 : i32
    %dma_wait3A_634 = arith.constant 0 : i32
    %dma_wait3A_635 = tpu.memref_slice %arg6[%dma_wait3A_633, %dma_wait3A_634] : memref<640x64xf32, #tpu.memory_space<vmem>> -> memref<20x64xf32, #tpu.memory_space<vmem>>
    %dma_wait3A_636 = arith.constant 0 : i32
    %dma_wait3A_637 = arith.constant 0 : i32
    %dma_wait3A_638 = tpu.memref_slice %arg4[%add3A_138, %dma_wait3A_636, %dma_wait3A_637] : memref<1024x20x64xf32, #tpu.memory_space<hbm>> -> memref<1x20x64xf32, #tpu.memory_space<hbm>>
    %dma_wait3A_639 = tpu.memref_squeeze %dma_wait3A_638 : memref<1x20x64xf32, #tpu.memory_space<hbm>> -> memref<20x64xf32, #tpu.memory_space<hbm>>
    %dma_wait3A_640 = arith.constant 0 : i32
    %dma_wait3A_641 = arith.constant 0 : i32
    %dma_wait3A_642 = tpu.memref_slice %arg4[%add3A_138, %dma_wait3A_640, %dma_wait3A_641] : memref<1024x20x64xf32, #tpu.memory_space<hbm>> -> memref<1x20x64xf32, #tpu.memory_space<hbm>>
    %dma_wait3A_643 = tpu.memref_squeeze %dma_wait3A_642 : memref<1x20x64xf32, #tpu.memory_space<hbm>> -> memref<20x64xf32, #tpu.memory_space<hbm>>
    %dma_wait3A_644 = arith.constant 160 : i32
    %dma_wait3A_645 = arith.constant 0 : i32
    %dma_wait3A_646 = tpu.memref_slice %arg6[%dma_wait3A_644, %dma_wait3A_645] : memref<640x64xf32, #tpu.memory_space<vmem>> -> memref<20x64xf32, #tpu.memory_space<vmem>>
    tpu.wait_dma2 semaphore(%arg7 : memref<!tpu.dma_semaphore, #tpu.memory_space<semaphore_mem>>) src(%dma_wait3A_646 : memref<20x64xf32, #tpu.memory_space<vmem>>) dst(%dma_wait3A_643 : memref<20x64xf32, #tpu.memory_space<hbm>>)
    %dma_wait3A_647 = arith.constant 180 : i32
    %dma_wait3A_648 = arith.constant 0 : i32
    %dma_wait3A_649 = tpu.memref_slice %arg6[%dma_wait3A_647, %dma_wait3A_648] : memref<640x64xf32, #tpu.memory_space<vmem>> -> memref<20x64xf32, #tpu.memory_space<vmem>>
    %dma_wait3A_650 = arith.constant 0 : i32
    %dma_wait3A_651 = arith.constant 0 : i32
    %dma_wait3A_652 = tpu.memref_slice %arg4[%add3A_154, %dma_wait3A_650, %dma_wait3A_651] : memref<1024x20x64xf32, #tpu.memory_space<hbm>> -> memref<1x20x64xf32, #tpu.memory_space<hbm>>
    %dma_wait3A_653 = tpu.memref_squeeze %dma_wait3A_652 : memref<1x20x64xf32, #tpu.memory_space<hbm>> -> memref<20x64xf32, #tpu.memory_space<hbm>>
    %dma_wait3A_654 = arith.constant 0 : i32
    %dma_wait3A_655 = arith.constant 0 : i32
    %dma_wait3A_656 = tpu.memref_slice %arg4[%add3A_154, %dma_wait3A_654, %dma_wait3A_655] : memref<1024x20x64xf32, #tpu.memory_space<hbm>> -> memref<1x20x64xf32, #tpu.memory_space<hbm>>
    %dma_wait3A_657 = tpu.memref_squeeze %dma_wait3A_656 : memref<1x20x64xf32, #tpu.memory_space<hbm>> -> memref<20x64xf32, #tpu.memory_space<hbm>>
    %dma_wait3A_658 = arith.constant 180 : i32
    %dma_wait3A_659 = arith.constant 0 : i32
    %dma_wait3A_660 = tpu.memref_slice %arg6[%dma_wait3A_658, %dma_wait3A_659] : memref<640x64xf32, #tpu.memory_space<vmem>> -> memref<20x64xf32, #tpu.memory_space<vmem>>
    tpu.wait_dma2 semaphore(%arg7 : memref<!tpu.dma_semaphore, #tpu.memory_space<semaphore_mem>>) src(%dma_wait3A_660 : memref<20x64xf32, #tpu.memory_space<vmem>>) dst(%dma_wait3A_657 : memref<20x64xf32, #tpu.memory_space<hbm>>)
    %dma_wait3A_661 = arith.constant 200 : i32
    %dma_wait3A_662 = arith.constant 0 : i32
    %dma_wait3A_663 = tpu.memref_slice %arg6[%dma_wait3A_661, %dma_wait3A_662] : memref<640x64xf32, #tpu.memory_space<vmem>> -> memref<20x64xf32, #tpu.memory_space<vmem>>
    %dma_wait3A_664 = arith.constant 0 : i32
    %dma_wait3A_665 = arith.constant 0 : i32
    %dma_wait3A_666 = tpu.memref_slice %arg4[%add3A_170, %dma_wait3A_664, %dma_wait3A_665] : memref<1024x20x64xf32, #tpu.memory_space<hbm>> -> memref<1x20x64xf32, #tpu.memory_space<hbm>>
    %dma_wait3A_667 = tpu.memref_squeeze %dma_wait3A_666 : memref<1x20x64xf32, #tpu.memory_space<hbm>> -> memref<20x64xf32, #tpu.memory_space<hbm>>
    %dma_wait3A_668 = arith.constant 0 : i32
    %dma_wait3A_669 = arith.constant 0 : i32
    %dma_wait3A_670 = tpu.memref_slice %arg4[%add3A_170, %dma_wait3A_668, %dma_wait3A_669] : memref<1024x20x64xf32, #tpu.memory_space<hbm>> -> memref<1x20x64xf32, #tpu.memory_space<hbm>>
    %dma_wait3A_671 = tpu.memref_squeeze %dma_wait3A_670 : memref<1x20x64xf32, #tpu.memory_space<hbm>> -> memref<20x64xf32, #tpu.memory_space<hbm>>
    %dma_wait3A_672 = arith.constant 200 : i32
    %dma_wait3A_673 = arith.constant 0 : i32
    %dma_wait3A_674 = tpu.memref_slice %arg6[%dma_wait3A_672, %dma_wait3A_673] : memref<640x64xf32, #tpu.memory_space<vmem>> -> memref<20x64xf32, #tpu.memory_space<vmem>>
    tpu.wait_dma2 semaphore(%arg7 : memref<!tpu.dma_semaphore, #tpu.memory_space<semaphore_mem>>) src(%dma_wait3A_674 : memref<20x64xf32, #tpu.memory_space<vmem>>) dst(%dma_wait3A_671 : memref<20x64xf32, #tpu.memory_space<hbm>>)
    %dma_wait3A_675 = arith.constant 220 : i32
    %dma_wait3A_676 = arith.constant 0 : i32
    %dma_wait3A_677 = tpu.memref_slice %arg6[%dma_wait3A_675, %dma_wait3A_676] : memref<640x64xf32, #tpu.memory_space<vmem>> -> memref<20x64xf32, #tpu.memory_space<vmem>>
    %dma_wait3A_678 = arith.constant 0 : i32
    %dma_wait3A_679 = arith.constant 0 : i32
    %dma_wait3A_680 = tpu.memref_slice %arg4[%add3A_186, %dma_wait3A_678, %dma_wait3A_679] : memref<1024x20x64xf32, #tpu.memory_space<hbm>> -> memref<1x20x64xf32, #tpu.memory_space<hbm>>
    %dma_wait3A_681 = tpu.memref_squeeze %dma_wait3A_680 : memref<1x20x64xf32, #tpu.memory_space<hbm>> -> memref<20x64xf32, #tpu.memory_space<hbm>>
    %dma_wait3A_682 = arith.constant 0 : i32
    %dma_wait3A_683 = arith.constant 0 : i32
    %dma_wait3A_684 = tpu.memref_slice %arg4[%add3A_186, %dma_wait3A_682, %dma_wait3A_683] : memref<1024x20x64xf32, #tpu.memory_space<hbm>> -> memref<1x20x64xf32, #tpu.memory_space<hbm>>
    %dma_wait3A_685 = tpu.memref_squeeze %dma_wait3A_684 : memref<1x20x64xf32, #tpu.memory_space<hbm>> -> memref<20x64xf32, #tpu.memory_space<hbm>>
    %dma_wait3A_686 = arith.constant 220 : i32
    %dma_wait3A_687 = arith.constant 0 : i32
    %dma_wait3A_688 = tpu.memref_slice %arg6[%dma_wait3A_686, %dma_wait3A_687] : memref<640x64xf32, #tpu.memory_space<vmem>> -> memref<20x64xf32, #tpu.memory_space<vmem>>
    tpu.wait_dma2 semaphore(%arg7 : memref<!tpu.dma_semaphore, #tpu.memory_space<semaphore_mem>>) src(%dma_wait3A_688 : memref<20x64xf32, #tpu.memory_space<vmem>>) dst(%dma_wait3A_685 : memref<20x64xf32, #tpu.memory_space<hbm>>)
    %dma_wait3A_689 = arith.constant 240 : i32
    %dma_wait3A_690 = arith.constant 0 : i32
    %dma_wait3A_691 = tpu.memref_slice %arg6[%dma_wait3A_689, %dma_wait3A_690] : memref<640x64xf32, #tpu.memory_space<vmem>> -> memref<20x64xf32, #tpu.memory_space<vmem>>
    %dma_wait3A_692 = arith.constant 0 : i32
    %dma_wait3A_693 = arith.constant 0 : i32
    %dma_wait3A_694 = tpu.memref_slice %arg4[%add3A_202, %dma_wait3A_692, %dma_wait3A_693] : memref<1024x20x64xf32, #tpu.memory_space<hbm>> -> memref<1x20x64xf32, #tpu.memory_space<hbm>>
    %dma_wait3A_695 = tpu.memref_squeeze %dma_wait3A_694 : memref<1x20x64xf32, #tpu.memory_space<hbm>> -> memref<20x64xf32, #tpu.memory_space<hbm>>
    %dma_wait3A_696 = arith.constant 0 : i32
    %dma_wait3A_697 = arith.constant 0 : i32
    %dma_wait3A_698 = tpu.memref_slice %arg4[%add3A_202, %dma_wait3A_696, %dma_wait3A_697] : memref<1024x20x64xf32, #tpu.memory_space<hbm>> -> memref<1x20x64xf32, #tpu.memory_space<hbm>>
    %dma_wait3A_699 = tpu.memref_squeeze %dma_wait3A_698 : memref<1x20x64xf32, #tpu.memory_space<hbm>> -> memref<20x64xf32, #tpu.memory_space<hbm>>
    %dma_wait3A_700 = arith.constant 240 : i32
    %dma_wait3A_701 = arith.constant 0 : i32
    %dma_wait3A_702 = tpu.memref_slice %arg6[%dma_wait3A_700, %dma_wait3A_701] : memref<640x64xf32, #tpu.memory_space<vmem>> -> memref<20x64xf32, #tpu.memory_space<vmem>>
    tpu.wait_dma2 semaphore(%arg7 : memref<!tpu.dma_semaphore, #tpu.memory_space<semaphore_mem>>) src(%dma_wait3A_702 : memref<20x64xf32, #tpu.memory_space<vmem>>) dst(%dma_wait3A_699 : memref<20x64xf32, #tpu.memory_space<hbm>>)
    %dma_wait3A_703 = arith.constant 260 : i32
    %dma_wait3A_704 = arith.constant 0 : i32
    %dma_wait3A_705 = tpu.memref_slice %arg6[%dma_wait3A_703, %dma_wait3A_704] : memref<640x64xf32, #tpu.memory_space<vmem>> -> memref<20x64xf32, #tpu.memory_space<vmem>>
    %dma_wait3A_706 = arith.constant 0 : i32
    %dma_wait3A_707 = arith.constant 0 : i32
    %dma_wait3A_708 = tpu.memref_slice %arg4[%add3A_218, %dma_wait3A_706, %dma_wait3A_707] : memref<1024x20x64xf32, #tpu.memory_space<hbm>> -> memref<1x20x64xf32, #tpu.memory_space<hbm>>
    %dma_wait3A_709 = tpu.memref_squeeze %dma_wait3A_708 : memref<1x20x64xf32, #tpu.memory_space<hbm>> -> memref<20x64xf32, #tpu.memory_space<hbm>>
    %dma_wait3A_710 = arith.constant 0 : i32
    %dma_wait3A_711 = arith.constant 0 : i32
    %dma_wait3A_712 = tpu.memref_slice %arg4[%add3A_218, %dma_wait3A_710, %dma_wait3A_711] : memref<1024x20x64xf32, #tpu.memory_space<hbm>> -> memref<1x20x64xf32, #tpu.memory_space<hbm>>
    %dma_wait3A_713 = tpu.memref_squeeze %dma_wait3A_712 : memref<1x20x64xf32, #tpu.memory_space<hbm>> -> memref<20x64xf32, #tpu.memory_space<hbm>>
    %dma_wait3A_714 = arith.constant 260 : i32
    %dma_wait3A_715 = arith.constant 0 : i32
    %dma_wait3A_716 = tpu.memref_slice %arg6[%dma_wait3A_714, %dma_wait3A_715] : memref<640x64xf32, #tpu.memory_space<vmem>> -> memref<20x64xf32, #tpu.memory_space<vmem>>
    tpu.wait_dma2 semaphore(%arg7 : memref<!tpu.dma_semaphore, #tpu.memory_space<semaphore_mem>>) src(%dma_wait3A_716 : memref<20x64xf32, #tpu.memory_space<vmem>>) dst(%dma_wait3A_713 : memref<20x64xf32, #tpu.memory_space<hbm>>)
    %dma_wait3A_717 = arith.constant 280 : i32
    %dma_wait3A_718 = arith.constant 0 : i32
    %dma_wait3A_719 = tpu.memref_slice %arg6[%dma_wait3A_717, %dma_wait3A_718] : memref<640x64xf32, #tpu.memory_space<vmem>> -> memref<20x64xf32, #tpu.memory_space<vmem>>
    %dma_wait3A_720 = arith.constant 0 : i32
    %dma_wait3A_721 = arith.constant 0 : i32
    %dma_wait3A_722 = tpu.memref_slice %arg4[%add3A_234, %dma_wait3A_720, %dma_wait3A_721] : memref<1024x20x64xf32, #tpu.memory_space<hbm>> -> memref<1x20x64xf32, #tpu.memory_space<hbm>>
    %dma_wait3A_723 = tpu.memref_squeeze %dma_wait3A_722 : memref<1x20x64xf32, #tpu.memory_space<hbm>> -> memref<20x64xf32, #tpu.memory_space<hbm>>
    %dma_wait3A_724 = arith.constant 0 : i32
    %dma_wait3A_725 = arith.constant 0 : i32
    %dma_wait3A_726 = tpu.memref_slice %arg4[%add3A_234, %dma_wait3A_724, %dma_wait3A_725] : memref<1024x20x64xf32, #tpu.memory_space<hbm>> -> memref<1x20x64xf32, #tpu.memory_space<hbm>>
    %dma_wait3A_727 = tpu.memref_squeeze %dma_wait3A_726 : memref<1x20x64xf32, #tpu.memory_space<hbm>> -> memref<20x64xf32, #tpu.memory_space<hbm>>
    %dma_wait3A_728 = arith.constant 280 : i32
    %dma_wait3A_729 = arith.constant 0 : i32
    %dma_wait3A_730 = tpu.memref_slice %arg6[%dma_wait3A_728, %dma_wait3A_729] : memref<640x64xf32, #tpu.memory_space<vmem>> -> memref<20x64xf32, #tpu.memory_space<vmem>>
    tpu.wait_dma2 semaphore(%arg7 : memref<!tpu.dma_semaphore, #tpu.memory_space<semaphore_mem>>) src(%dma_wait3A_730 : memref<20x64xf32, #tpu.memory_space<vmem>>) dst(%dma_wait3A_727 : memref<20x64xf32, #tpu.memory_space<hbm>>)
    %dma_wait3A_731 = arith.constant 300 : i32
    %dma_wait3A_732 = arith.constant 0 : i32
    %dma_wait3A_733 = tpu.memref_slice %arg6[%dma_wait3A_731, %dma_wait3A_732] : memref<640x64xf32, #tpu.memory_space<vmem>> -> memref<20x64xf32, #tpu.memory_space<vmem>>
    %dma_wait3A_734 = arith.constant 0 : i32
    %dma_wait3A_735 = arith.constant 0 : i32
    %dma_wait3A_736 = tpu.memref_slice %arg4[%add3A_250, %dma_wait3A_734, %dma_wait3A_735] : memref<1024x20x64xf32, #tpu.memory_space<hbm>> -> memref<1x20x64xf32, #tpu.memory_space<hbm>>
    %dma_wait3A_737 = tpu.memref_squeeze %dma_wait3A_736 : memref<1x20x64xf32, #tpu.memory_space<hbm>> -> memref<20x64xf32, #tpu.memory_space<hbm>>
    %dma_wait3A_738 = arith.constant 0 : i32
    %dma_wait3A_739 = arith.constant 0 : i32
    %dma_wait3A_740 = tpu.memref_slice %arg4[%add3A_250, %dma_wait3A_738, %dma_wait3A_739] : memref<1024x20x64xf32, #tpu.memory_space<hbm>> -> memref<1x20x64xf32, #tpu.memory_space<hbm>>
    %dma_wait3A_741 = tpu.memref_squeeze %dma_wait3A_740 : memref<1x20x64xf32, #tpu.memory_space<hbm>> -> memref<20x64xf32, #tpu.memory_space<hbm>>
    %dma_wait3A_742 = arith.constant 300 : i32
    %dma_wait3A_743 = arith.constant 0 : i32
    %dma_wait3A_744 = tpu.memref_slice %arg6[%dma_wait3A_742, %dma_wait3A_743] : memref<640x64xf32, #tpu.memory_space<vmem>> -> memref<20x64xf32, #tpu.memory_space<vmem>>
    tpu.wait_dma2 semaphore(%arg7 : memref<!tpu.dma_semaphore, #tpu.memory_space<semaphore_mem>>) src(%dma_wait3A_744 : memref<20x64xf32, #tpu.memory_space<vmem>>) dst(%dma_wait3A_741 : memref<20x64xf32, #tpu.memory_space<hbm>>)
    %dma_wait3A_745 = arith.constant 320 : i32
    %dma_wait3A_746 = arith.constant 0 : i32
    %dma_wait3A_747 = tpu.memref_slice %arg6[%dma_wait3A_745, %dma_wait3A_746] : memref<640x64xf32, #tpu.memory_space<vmem>> -> memref<20x64xf32, #tpu.memory_space<vmem>>
    %dma_wait3A_748 = arith.constant 0 : i32
    %dma_wait3A_749 = arith.constant 0 : i32
    %dma_wait3A_750 = tpu.memref_slice %arg4[%add3A_266, %dma_wait3A_748, %dma_wait3A_749] : memref<1024x20x64xf32, #tpu.memory_space<hbm>> -> memref<1x20x64xf32, #tpu.memory_space<hbm>>
    %dma_wait3A_751 = tpu.memref_squeeze %dma_wait3A_750 : memref<1x20x64xf32, #tpu.memory_space<hbm>> -> memref<20x64xf32, #tpu.memory_space<hbm>>
    %dma_wait3A_752 = arith.constant 0 : i32
    %dma_wait3A_753 = arith.constant 0 : i32
    %dma_wait3A_754 = tpu.memref_slice %arg4[%add3A_266, %dma_wait3A_752, %dma_wait3A_753] : memref<1024x20x64xf32, #tpu.memory_space<hbm>> -> memref<1x20x64xf32, #tpu.memory_space<hbm>>
    %dma_wait3A_755 = tpu.memref_squeeze %dma_wait3A_754 : memref<1x20x64xf32, #tpu.memory_space<hbm>> -> memref<20x64xf32, #tpu.memory_space<hbm>>
    %dma_wait3A_756 = arith.constant 320 : i32
    %dma_wait3A_757 = arith.constant 0 : i32
    %dma_wait3A_758 = tpu.memref_slice %arg6[%dma_wait3A_756, %dma_wait3A_757] : memref<640x64xf32, #tpu.memory_space<vmem>> -> memref<20x64xf32, #tpu.memory_space<vmem>>
    tpu.wait_dma2 semaphore(%arg7 : memref<!tpu.dma_semaphore, #tpu.memory_space<semaphore_mem>>) src(%dma_wait3A_758 : memref<20x64xf32, #tpu.memory_space<vmem>>) dst(%dma_wait3A_755 : memref<20x64xf32, #tpu.memory_space<hbm>>)
    %dma_wait3A_759 = arith.constant 340 : i32
    %dma_wait3A_760 = arith.constant 0 : i32
    %dma_wait3A_761 = tpu.memref_slice %arg6[%dma_wait3A_759, %dma_wait3A_760] : memref<640x64xf32, #tpu.memory_space<vmem>> -> memref<20x64xf32, #tpu.memory_space<vmem>>
    %dma_wait3A_762 = arith.constant 0 : i32
    %dma_wait3A_763 = arith.constant 0 : i32
    %dma_wait3A_764 = tpu.memref_slice %arg4[%add3A_282, %dma_wait3A_762, %dma_wait3A_763] : memref<1024x20x64xf32, #tpu.memory_space<hbm>> -> memref<1x20x64xf32, #tpu.memory_space<hbm>>
    %dma_wait3A_765 = tpu.memref_squeeze %dma_wait3A_764 : memref<1x20x64xf32, #tpu.memory_space<hbm>> -> memref<20x64xf32, #tpu.memory_space<hbm>>
    %dma_wait3A_766 = arith.constant 0 : i32
    %dma_wait3A_767 = arith.constant 0 : i32
    %dma_wait3A_768 = tpu.memref_slice %arg4[%add3A_282, %dma_wait3A_766, %dma_wait3A_767] : memref<1024x20x64xf32, #tpu.memory_space<hbm>> -> memref<1x20x64xf32, #tpu.memory_space<hbm>>
    %dma_wait3A_769 = tpu.memref_squeeze %dma_wait3A_768 : memref<1x20x64xf32, #tpu.memory_space<hbm>> -> memref<20x64xf32, #tpu.memory_space<hbm>>
    %dma_wait3A_770 = arith.constant 340 : i32
    %dma_wait3A_771 = arith.constant 0 : i32
    %dma_wait3A_772 = tpu.memref_slice %arg6[%dma_wait3A_770, %dma_wait3A_771] : memref<640x64xf32, #tpu.memory_space<vmem>> -> memref<20x64xf32, #tpu.memory_space<vmem>>
    tpu.wait_dma2 semaphore(%arg7 : memref<!tpu.dma_semaphore, #tpu.memory_space<semaphore_mem>>) src(%dma_wait3A_772 : memref<20x64xf32, #tpu.memory_space<vmem>>) dst(%dma_wait3A_769 : memref<20x64xf32, #tpu.memory_space<hbm>>)
    %dma_wait3A_773 = arith.constant 360 : i32
    %dma_wait3A_774 = arith.constant 0 : i32
    %dma_wait3A_775 = tpu.memref_slice %arg6[%dma_wait3A_773, %dma_wait3A_774] : memref<640x64xf32, #tpu.memory_space<vmem>> -> memref<20x64xf32, #tpu.memory_space<vmem>>
    %dma_wait3A_776 = arith.constant 0 : i32
    %dma_wait3A_777 = arith.constant 0 : i32
    %dma_wait3A_778 = tpu.memref_slice %arg4[%add3A_298, %dma_wait3A_776, %dma_wait3A_777] : memref<1024x20x64xf32, #tpu.memory_space<hbm>> -> memref<1x20x64xf32, #tpu.memory_space<hbm>>
    %dma_wait3A_779 = tpu.memref_squeeze %dma_wait3A_778 : memref<1x20x64xf32, #tpu.memory_space<hbm>> -> memref<20x64xf32, #tpu.memory_space<hbm>>
    %dma_wait3A_780 = arith.constant 0 : i32
    %dma_wait3A_781 = arith.constant 0 : i32
    %dma_wait3A_782 = tpu.memref_slice %arg4[%add3A_298, %dma_wait3A_780, %dma_wait3A_781] : memref<1024x20x64xf32, #tpu.memory_space<hbm>> -> memref<1x20x64xf32, #tpu.memory_space<hbm>>
    %dma_wait3A_783 = tpu.memref_squeeze %dma_wait3A_782 : memref<1x20x64xf32, #tpu.memory_space<hbm>> -> memref<20x64xf32, #tpu.memory_space<hbm>>
    %dma_wait3A_784 = arith.constant 360 : i32
    %dma_wait3A_785 = arith.constant 0 : i32
    %dma_wait3A_786 = tpu.memref_slice %arg6[%dma_wait3A_784, %dma_wait3A_785] : memref<640x64xf32, #tpu.memory_space<vmem>> -> memref<20x64xf32, #tpu.memory_space<vmem>>
    tpu.wait_dma2 semaphore(%arg7 : memref<!tpu.dma_semaphore, #tpu.memory_space<semaphore_mem>>) src(%dma_wait3A_786 : memref<20x64xf32, #tpu.memory_space<vmem>>) dst(%dma_wait3A_783 : memref<20x64xf32, #tpu.memory_space<hbm>>)
    %dma_wait3A_787 = arith.constant 380 : i32
    %dma_wait3A_788 = arith.constant 0 : i32
    %dma_wait3A_789 = tpu.memref_slice %arg6[%dma_wait3A_787, %dma_wait3A_788] : memref<640x64xf32, #tpu.memory_space<vmem>> -> memref<20x64xf32, #tpu.memory_space<vmem>>
    %dma_wait3A_790 = arith.constant 0 : i32
    %dma_wait3A_791 = arith.constant 0 : i32
    %dma_wait3A_792 = tpu.memref_slice %arg4[%add3A_314, %dma_wait3A_790, %dma_wait3A_791] : memref<1024x20x64xf32, #tpu.memory_space<hbm>> -> memref<1x20x64xf32, #tpu.memory_space<hbm>>
    %dma_wait3A_793 = tpu.memref_squeeze %dma_wait3A_792 : memref<1x20x64xf32, #tpu.memory_space<hbm>> -> memref<20x64xf32, #tpu.memory_space<hbm>>
    %dma_wait3A_794 = arith.constant 0 : i32
    %dma_wait3A_795 = arith.constant 0 : i32
    %dma_wait3A_796 = tpu.memref_slice %arg4[%add3A_314, %dma_wait3A_794, %dma_wait3A_795] : memref<1024x20x64xf32, #tpu.memory_space<hbm>> -> memref<1x20x64xf32, #tpu.memory_space<hbm>>
    %dma_wait3A_797 = tpu.memref_squeeze %dma_wait3A_796 : memref<1x20x64xf32, #tpu.memory_space<hbm>> -> memref<20x64xf32, #tpu.memory_space<hbm>>
    %dma_wait3A_798 = arith.constant 380 : i32
    %dma_wait3A_799 = arith.constant 0 : i32
    %dma_wait3A_800 = tpu.memref_slice %arg6[%dma_wait3A_798, %dma_wait3A_799] : memref<640x64xf32, #tpu.memory_space<vmem>> -> memref<20x64xf32, #tpu.memory_space<vmem>>
    tpu.wait_dma2 semaphore(%arg7 : memref<!tpu.dma_semaphore, #tpu.memory_space<semaphore_mem>>) src(%dma_wait3A_800 : memref<20x64xf32, #tpu.memory_space<vmem>>) dst(%dma_wait3A_797 : memref<20x64xf32, #tpu.memory_space<hbm>>)
    %dma_wait3A_801 = arith.constant 400 : i32
    %dma_wait3A_802 = arith.constant 0 : i32
    %dma_wait3A_803 = tpu.memref_slice %arg6[%dma_wait3A_801, %dma_wait3A_802] : memref<640x64xf32, #tpu.memory_space<vmem>> -> memref<20x64xf32, #tpu.memory_space<vmem>>
    %dma_wait3A_804 = arith.constant 0 : i32
    %dma_wait3A_805 = arith.constant 0 : i32
    %dma_wait3A_806 = tpu.memref_slice %arg4[%add3A_330, %dma_wait3A_804, %dma_wait3A_805] : memref<1024x20x64xf32, #tpu.memory_space<hbm>> -> memref<1x20x64xf32, #tpu.memory_space<hbm>>
    %dma_wait3A_807 = tpu.memref_squeeze %dma_wait3A_806 : memref<1x20x64xf32, #tpu.memory_space<hbm>> -> memref<20x64xf32, #tpu.memory_space<hbm>>
    %dma_wait3A_808 = arith.constant 0 : i32
    %dma_wait3A_809 = arith.constant 0 : i32
    %dma_wait3A_810 = tpu.memref_slice %arg4[%add3A_330, %dma_wait3A_808, %dma_wait3A_809] : memref<1024x20x64xf32, #tpu.memory_space<hbm>> -> memref<1x20x64xf32, #tpu.memory_space<hbm>>
    %dma_wait3A_811 = tpu.memref_squeeze %dma_wait3A_810 : memref<1x20x64xf32, #tpu.memory_space<hbm>> -> memref<20x64xf32, #tpu.memory_space<hbm>>
    %dma_wait3A_812 = arith.constant 400 : i32
    %dma_wait3A_813 = arith.constant 0 : i32
    %dma_wait3A_814 = tpu.memref_slice %arg6[%dma_wait3A_812, %dma_wait3A_813] : memref<640x64xf32, #tpu.memory_space<vmem>> -> memref<20x64xf32, #tpu.memory_space<vmem>>
    tpu.wait_dma2 semaphore(%arg7 : memref<!tpu.dma_semaphore, #tpu.memory_space<semaphore_mem>>) src(%dma_wait3A_814 : memref<20x64xf32, #tpu.memory_space<vmem>>) dst(%dma_wait3A_811 : memref<20x64xf32, #tpu.memory_space<hbm>>)
    %dma_wait3A_815 = arith.constant 420 : i32
    %dma_wait3A_816 = arith.constant 0 : i32
    %dma_wait3A_817 = tpu.memref_slice %arg6[%dma_wait3A_815, %dma_wait3A_816] : memref<640x64xf32, #tpu.memory_space<vmem>> -> memref<20x64xf32, #tpu.memory_space<vmem>>
    %dma_wait3A_818 = arith.constant 0 : i32
    %dma_wait3A_819 = arith.constant 0 : i32
    %dma_wait3A_820 = tpu.memref_slice %arg4[%add3A_346, %dma_wait3A_818, %dma_wait3A_819] : memref<1024x20x64xf32, #tpu.memory_space<hbm>> -> memref<1x20x64xf32, #tpu.memory_space<hbm>>
    %dma_wait3A_821 = tpu.memref_squeeze %dma_wait3A_820 : memref<1x20x64xf32, #tpu.memory_space<hbm>> -> memref<20x64xf32, #tpu.memory_space<hbm>>
    %dma_wait3A_822 = arith.constant 0 : i32
    %dma_wait3A_823 = arith.constant 0 : i32
    %dma_wait3A_824 = tpu.memref_slice %arg4[%add3A_346, %dma_wait3A_822, %dma_wait3A_823] : memref<1024x20x64xf32, #tpu.memory_space<hbm>> -> memref<1x20x64xf32, #tpu.memory_space<hbm>>
    %dma_wait3A_825 = tpu.memref_squeeze %dma_wait3A_824 : memref<1x20x64xf32, #tpu.memory_space<hbm>> -> memref<20x64xf32, #tpu.memory_space<hbm>>
    %dma_wait3A_826 = arith.constant 420 : i32
    %dma_wait3A_827 = arith.constant 0 : i32
    %dma_wait3A_828 = tpu.memref_slice %arg6[%dma_wait3A_826, %dma_wait3A_827] : memref<640x64xf32, #tpu.memory_space<vmem>> -> memref<20x64xf32, #tpu.memory_space<vmem>>
    tpu.wait_dma2 semaphore(%arg7 : memref<!tpu.dma_semaphore, #tpu.memory_space<semaphore_mem>>) src(%dma_wait3A_828 : memref<20x64xf32, #tpu.memory_space<vmem>>) dst(%dma_wait3A_825 : memref<20x64xf32, #tpu.memory_space<hbm>>)
    %dma_wait3A_829 = arith.constant 440 : i32
    %dma_wait3A_830 = arith.constant 0 : i32
    %dma_wait3A_831 = tpu.memref_slice %arg6[%dma_wait3A_829, %dma_wait3A_830] : memref<640x64xf32, #tpu.memory_space<vmem>> -> memref<20x64xf32, #tpu.memory_space<vmem>>
    %dma_wait3A_832 = arith.constant 0 : i32
    %dma_wait3A_833 = arith.constant 0 : i32
    %dma_wait3A_834 = tpu.memref_slice %arg4[%add3A_362, %dma_wait3A_832, %dma_wait3A_833] : memref<1024x20x64xf32, #tpu.memory_space<hbm>> -> memref<1x20x64xf32, #tpu.memory_space<hbm>>
    %dma_wait3A_835 = tpu.memref_squeeze %dma_wait3A_834 : memref<1x20x64xf32, #tpu.memory_space<hbm>> -> memref<20x64xf32, #tpu.memory_space<hbm>>
    %dma_wait3A_836 = arith.constant 0 : i32
    %dma_wait3A_837 = arith.constant 0 : i32
    %dma_wait3A_838 = tpu.memref_slice %arg4[%add3A_362, %dma_wait3A_836, %dma_wait3A_837] : memref<1024x20x64xf32, #tpu.memory_space<hbm>> -> memref<1x20x64xf32, #tpu.memory_space<hbm>>
    %dma_wait3A_839 = tpu.memref_squeeze %dma_wait3A_838 : memref<1x20x64xf32, #tpu.memory_space<hbm>> -> memref<20x64xf32, #tpu.memory_space<hbm>>
    %dma_wait3A_840 = arith.constant 440 : i32
    %dma_wait3A_841 = arith.constant 0 : i32
    %dma_wait3A_842 = tpu.memref_slice %arg6[%dma_wait3A_840, %dma_wait3A_841] : memref<640x64xf32, #tpu.memory_space<vmem>> -> memref<20x64xf32, #tpu.memory_space<vmem>>
    tpu.wait_dma2 semaphore(%arg7 : memref<!tpu.dma_semaphore, #tpu.memory_space<semaphore_mem>>) src(%dma_wait3A_842 : memref<20x64xf32, #tpu.memory_space<vmem>>) dst(%dma_wait3A_839 : memref<20x64xf32, #tpu.memory_space<hbm>>)
    %dma_wait3A_843 = arith.constant 460 : i32
    %dma_wait3A_844 = arith.constant 0 : i32
    %dma_wait3A_845 = tpu.memref_slice %arg6[%dma_wait3A_843, %dma_wait3A_844] : memref<640x64xf32, #tpu.memory_space<vmem>> -> memref<20x64xf32, #tpu.memory_space<vmem>>
    %dma_wait3A_846 = arith.constant 0 : i32
    %dma_wait3A_847 = arith.constant 0 : i32
    %dma_wait3A_848 = tpu.memref_slice %arg4[%add3A_378, %dma_wait3A_846, %dma_wait3A_847] : memref<1024x20x64xf32, #tpu.memory_space<hbm>> -> memref<1x20x64xf32, #tpu.memory_space<hbm>>
    %dma_wait3A_849 = tpu.memref_squeeze %dma_wait3A_848 : memref<1x20x64xf32, #tpu.memory_space<hbm>> -> memref<20x64xf32, #tpu.memory_space<hbm>>
    %dma_wait3A_850 = arith.constant 0 : i32
    %dma_wait3A_851 = arith.constant 0 : i32
    %dma_wait3A_852 = tpu.memref_slice %arg4[%add3A_378, %dma_wait3A_850, %dma_wait3A_851] : memref<1024x20x64xf32, #tpu.memory_space<hbm>> -> memref<1x20x64xf32, #tpu.memory_space<hbm>>
    %dma_wait3A_853 = tpu.memref_squeeze %dma_wait3A_852 : memref<1x20x64xf32, #tpu.memory_space<hbm>> -> memref<20x64xf32, #tpu.memory_space<hbm>>
    %dma_wait3A_854 = arith.constant 460 : i32
    %dma_wait3A_855 = arith.constant 0 : i32
    %dma_wait3A_856 = tpu.memref_slice %arg6[%dma_wait3A_854, %dma_wait3A_855] : memref<640x64xf32, #tpu.memory_space<vmem>> -> memref<20x64xf32, #tpu.memory_space<vmem>>
    tpu.wait_dma2 semaphore(%arg7 : memref<!tpu.dma_semaphore, #tpu.memory_space<semaphore_mem>>) src(%dma_wait3A_856 : memref<20x64xf32, #tpu.memory_space<vmem>>) dst(%dma_wait3A_853 : memref<20x64xf32, #tpu.memory_space<hbm>>)
    %dma_wait3A_857 = arith.constant 480 : i32
    %dma_wait3A_858 = arith.constant 0 : i32
    %dma_wait3A_859 = tpu.memref_slice %arg6[%dma_wait3A_857, %dma_wait3A_858] : memref<640x64xf32, #tpu.memory_space<vmem>> -> memref<20x64xf32, #tpu.memory_space<vmem>>
    %dma_wait3A_860 = arith.constant 0 : i32
    %dma_wait3A_861 = arith.constant 0 : i32
    %dma_wait3A_862 = tpu.memref_slice %arg4[%add3A_394, %dma_wait3A_860, %dma_wait3A_861] : memref<1024x20x64xf32, #tpu.memory_space<hbm>> -> memref<1x20x64xf32, #tpu.memory_space<hbm>>
    %dma_wait3A_863 = tpu.memref_squeeze %dma_wait3A_862 : memref<1x20x64xf32, #tpu.memory_space<hbm>> -> memref<20x64xf32, #tpu.memory_space<hbm>>
    %dma_wait3A_864 = arith.constant 0 : i32
    %dma_wait3A_865 = arith.constant 0 : i32
    %dma_wait3A_866 = tpu.memref_slice %arg4[%add3A_394, %dma_wait3A_864, %dma_wait3A_865] : memref<1024x20x64xf32, #tpu.memory_space<hbm>> -> memref<1x20x64xf32, #tpu.memory_space<hbm>>
    %dma_wait3A_867 = tpu.memref_squeeze %dma_wait3A_866 : memref<1x20x64xf32, #tpu.memory_space<hbm>> -> memref<20x64xf32, #tpu.memory_space<hbm>>
    %dma_wait3A_868 = arith.constant 480 : i32
    %dma_wait3A_869 = arith.constant 0 : i32
    %dma_wait3A_870 = tpu.memref_slice %arg6[%dma_wait3A_868, %dma_wait3A_869] : memref<640x64xf32, #tpu.memory_space<vmem>> -> memref<20x64xf32, #tpu.memory_space<vmem>>
    tpu.wait_dma2 semaphore(%arg7 : memref<!tpu.dma_semaphore, #tpu.memory_space<semaphore_mem>>) src(%dma_wait3A_870 : memref<20x64xf32, #tpu.memory_space<vmem>>) dst(%dma_wait3A_867 : memref<20x64xf32, #tpu.memory_space<hbm>>)
    %dma_wait3A_871 = arith.constant 500 : i32
    %dma_wait3A_872 = arith.constant 0 : i32
    %dma_wait3A_873 = tpu.memref_slice %arg6[%dma_wait3A_871, %dma_wait3A_872] : memref<640x64xf32, #tpu.memory_space<vmem>> -> memref<20x64xf32, #tpu.memory_space<vmem>>
    %dma_wait3A_874 = arith.constant 0 : i32
    %dma_wait3A_875 = arith.constant 0 : i32
    %dma_wait3A_876 = tpu.memref_slice %arg4[%add3A_410, %dma_wait3A_874, %dma_wait3A_875] : memref<1024x20x64xf32, #tpu.memory_space<hbm>> -> memref<1x20x64xf32, #tpu.memory_space<hbm>>
    %dma_wait3A_877 = tpu.memref_squeeze %dma_wait3A_876 : memref<1x20x64xf32, #tpu.memory_space<hbm>> -> memref<20x64xf32, #tpu.memory_space<hbm>>
    %dma_wait3A_878 = arith.constant 0 : i32
    %dma_wait3A_879 = arith.constant 0 : i32
    %dma_wait3A_880 = tpu.memref_slice %arg4[%add3A_410, %dma_wait3A_878, %dma_wait3A_879] : memref<1024x20x64xf32, #tpu.memory_space<hbm>> -> memref<1x20x64xf32, #tpu.memory_space<hbm>>
    %dma_wait3A_881 = tpu.memref_squeeze %dma_wait3A_880 : memref<1x20x64xf32, #tpu.memory_space<hbm>> -> memref<20x64xf32, #tpu.memory_space<hbm>>
    %dma_wait3A_882 = arith.constant 500 : i32
    %dma_wait3A_883 = arith.constant 0 : i32
    %dma_wait3A_884 = tpu.memref_slice %arg6[%dma_wait3A_882, %dma_wait3A_883] : memref<640x64xf32, #tpu.memory_space<vmem>> -> memref<20x64xf32, #tpu.memory_space<vmem>>
    tpu.wait_dma2 semaphore(%arg7 : memref<!tpu.dma_semaphore, #tpu.memory_space<semaphore_mem>>) src(%dma_wait3A_884 : memref<20x64xf32, #tpu.memory_space<vmem>>) dst(%dma_wait3A_881 : memref<20x64xf32, #tpu.memory_space<hbm>>)
    %dma_wait3A_885 = arith.constant 520 : i32
    %dma_wait3A_886 = arith.constant 0 : i32
    %dma_wait3A_887 = tpu.memref_slice %arg6[%dma_wait3A_885, %dma_wait3A_886] : memref<640x64xf32, #tpu.memory_space<vmem>> -> memref<20x64xf32, #tpu.memory_space<vmem>>
    %dma_wait3A_888 = arith.constant 0 : i32
    %dma_wait3A_889 = arith.constant 0 : i32
    %dma_wait3A_890 = tpu.memref_slice %arg4[%add3A_426, %dma_wait3A_888, %dma_wait3A_889] : memref<1024x20x64xf32, #tpu.memory_space<hbm>> -> memref<1x20x64xf32, #tpu.memory_space<hbm>>
    %dma_wait3A_891 = tpu.memref_squeeze %dma_wait3A_890 : memref<1x20x64xf32, #tpu.memory_space<hbm>> -> memref<20x64xf32, #tpu.memory_space<hbm>>
    %dma_wait3A_892 = arith.constant 0 : i32
    %dma_wait3A_893 = arith.constant 0 : i32
    %dma_wait3A_894 = tpu.memref_slice %arg4[%add3A_426, %dma_wait3A_892, %dma_wait3A_893] : memref<1024x20x64xf32, #tpu.memory_space<hbm>> -> memref<1x20x64xf32, #tpu.memory_space<hbm>>
    %dma_wait3A_895 = tpu.memref_squeeze %dma_wait3A_894 : memref<1x20x64xf32, #tpu.memory_space<hbm>> -> memref<20x64xf32, #tpu.memory_space<hbm>>
    %dma_wait3A_896 = arith.constant 520 : i32
    %dma_wait3A_897 = arith.constant 0 : i32
    %dma_wait3A_898 = tpu.memref_slice %arg6[%dma_wait3A_896, %dma_wait3A_897] : memref<640x64xf32, #tpu.memory_space<vmem>> -> memref<20x64xf32, #tpu.memory_space<vmem>>
    tpu.wait_dma2 semaphore(%arg7 : memref<!tpu.dma_semaphore, #tpu.memory_space<semaphore_mem>>) src(%dma_wait3A_898 : memref<20x64xf32, #tpu.memory_space<vmem>>) dst(%dma_wait3A_895 : memref<20x64xf32, #tpu.memory_space<hbm>>)
    %dma_wait3A_899 = arith.constant 540 : i32
    %dma_wait3A_900 = arith.constant 0 : i32
    %dma_wait3A_901 = tpu.memref_slice %arg6[%dma_wait3A_899, %dma_wait3A_900] : memref<640x64xf32, #tpu.memory_space<vmem>> -> memref<20x64xf32, #tpu.memory_space<vmem>>
    %dma_wait3A_902 = arith.constant 0 : i32
    %dma_wait3A_903 = arith.constant 0 : i32
    %dma_wait3A_904 = tpu.memref_slice %arg4[%add3A_442, %dma_wait3A_902, %dma_wait3A_903] : memref<1024x20x64xf32, #tpu.memory_space<hbm>> -> memref<1x20x64xf32, #tpu.memory_space<hbm>>
    %dma_wait3A_905 = tpu.memref_squeeze %dma_wait3A_904 : memref<1x20x64xf32, #tpu.memory_space<hbm>> -> memref<20x64xf32, #tpu.memory_space<hbm>>
    %dma_wait3A_906 = arith.constant 0 : i32
    %dma_wait3A_907 = arith.constant 0 : i32
    %dma_wait3A_908 = tpu.memref_slice %arg4[%add3A_442, %dma_wait3A_906, %dma_wait3A_907] : memref<1024x20x64xf32, #tpu.memory_space<hbm>> -> memref<1x20x64xf32, #tpu.memory_space<hbm>>
    %dma_wait3A_909 = tpu.memref_squeeze %dma_wait3A_908 : memref<1x20x64xf32, #tpu.memory_space<hbm>> -> memref<20x64xf32, #tpu.memory_space<hbm>>
    %dma_wait3A_910 = arith.constant 540 : i32
    %dma_wait3A_911 = arith.constant 0 : i32
    %dma_wait3A_912 = tpu.memref_slice %arg6[%dma_wait3A_910, %dma_wait3A_911] : memref<640x64xf32, #tpu.memory_space<vmem>> -> memref<20x64xf32, #tpu.memory_space<vmem>>
    tpu.wait_dma2 semaphore(%arg7 : memref<!tpu.dma_semaphore, #tpu.memory_space<semaphore_mem>>) src(%dma_wait3A_912 : memref<20x64xf32, #tpu.memory_space<vmem>>) dst(%dma_wait3A_909 : memref<20x64xf32, #tpu.memory_space<hbm>>)
    %dma_wait3A_913 = arith.constant 560 : i32
    %dma_wait3A_914 = arith.constant 0 : i32
    %dma_wait3A_915 = tpu.memref_slice %arg6[%dma_wait3A_913, %dma_wait3A_914] : memref<640x64xf32, #tpu.memory_space<vmem>> -> memref<20x64xf32, #tpu.memory_space<vmem>>
    %dma_wait3A_916 = arith.constant 0 : i32
    %dma_wait3A_917 = arith.constant 0 : i32
    %dma_wait3A_918 = tpu.memref_slice %arg4[%add3A_458, %dma_wait3A_916, %dma_wait3A_917] : memref<1024x20x64xf32, #tpu.memory_space<hbm>> -> memref<1x20x64xf32, #tpu.memory_space<hbm>>
    %dma_wait3A_919 = tpu.memref_squeeze %dma_wait3A_918 : memref<1x20x64xf32, #tpu.memory_space<hbm>> -> memref<20x64xf32, #tpu.memory_space<hbm>>
    %dma_wait3A_920 = arith.constant 0 : i32
    %dma_wait3A_921 = arith.constant 0 : i32
    %dma_wait3A_922 = tpu.memref_slice %arg4[%add3A_458, %dma_wait3A_920, %dma_wait3A_921] : memref<1024x20x64xf32, #tpu.memory_space<hbm>> -> memref<1x20x64xf32, #tpu.memory_space<hbm>>
    %dma_wait3A_923 = tpu.memref_squeeze %dma_wait3A_922 : memref<1x20x64xf32, #tpu.memory_space<hbm>> -> memref<20x64xf32, #tpu.memory_space<hbm>>
    %dma_wait3A_924 = arith.constant 560 : i32
    %dma_wait3A_925 = arith.constant 0 : i32
    %dma_wait3A_926 = tpu.memref_slice %arg6[%dma_wait3A_924, %dma_wait3A_925] : memref<640x64xf32, #tpu.memory_space<vmem>> -> memref<20x64xf32, #tpu.memory_space<vmem>>
    tpu.wait_dma2 semaphore(%arg7 : memref<!tpu.dma_semaphore, #tpu.memory_space<semaphore_mem>>) src(%dma_wait3A_926 : memref<20x64xf32, #tpu.memory_space<vmem>>) dst(%dma_wait3A_923 : memref<20x64xf32, #tpu.memory_space<hbm>>)
    %dma_wait3A_927 = arith.constant 580 : i32
    %dma_wait3A_928 = arith.constant 0 : i32
    %dma_wait3A_929 = tpu.memref_slice %arg6[%dma_wait3A_927, %dma_wait3A_928] : memref<640x64xf32, #tpu.memory_space<vmem>> -> memref<20x64xf32, #tpu.memory_space<vmem>>
    %dma_wait3A_930 = arith.constant 0 : i32
    %dma_wait3A_931 = arith.constant 0 : i32
    %dma_wait3A_932 = tpu.memref_slice %arg4[%add3A_474, %dma_wait3A_930, %dma_wait3A_931] : memref<1024x20x64xf32, #tpu.memory_space<hbm>> -> memref<1x20x64xf32, #tpu.memory_space<hbm>>
    %dma_wait3A_933 = tpu.memref_squeeze %dma_wait3A_932 : memref<1x20x64xf32, #tpu.memory_space<hbm>> -> memref<20x64xf32, #tpu.memory_space<hbm>>
    %dma_wait3A_934 = arith.constant 0 : i32
    %dma_wait3A_935 = arith.constant 0 : i32
    %dma_wait3A_936 = tpu.memref_slice %arg4[%add3A_474, %dma_wait3A_934, %dma_wait3A_935] : memref<1024x20x64xf32, #tpu.memory_space<hbm>> -> memref<1x20x64xf32, #tpu.memory_space<hbm>>
    %dma_wait3A_937 = tpu.memref_squeeze %dma_wait3A_936 : memref<1x20x64xf32, #tpu.memory_space<hbm>> -> memref<20x64xf32, #tpu.memory_space<hbm>>
    %dma_wait3A_938 = arith.constant 580 : i32
    %dma_wait3A_939 = arith.constant 0 : i32
    %dma_wait3A_940 = tpu.memref_slice %arg6[%dma_wait3A_938, %dma_wait3A_939] : memref<640x64xf32, #tpu.memory_space<vmem>> -> memref<20x64xf32, #tpu.memory_space<vmem>>
    tpu.wait_dma2 semaphore(%arg7 : memref<!tpu.dma_semaphore, #tpu.memory_space<semaphore_mem>>) src(%dma_wait3A_940 : memref<20x64xf32, #tpu.memory_space<vmem>>) dst(%dma_wait3A_937 : memref<20x64xf32, #tpu.memory_space<hbm>>)
    %dma_wait3A_941 = arith.constant 600 : i32
    %dma_wait3A_942 = arith.constant 0 : i32
    %dma_wait3A_943 = tpu.memref_slice %arg6[%dma_wait3A_941, %dma_wait3A_942] : memref<640x64xf32, #tpu.memory_space<vmem>> -> memref<20x64xf32, #tpu.memory_space<vmem>>
    %dma_wait3A_944 = arith.constant 0 : i32
    %dma_wait3A_945 = arith.constant 0 : i32
    %dma_wait3A_946 = tpu.memref_slice %arg4[%add3A_490, %dma_wait3A_944, %dma_wait3A_945] : memref<1024x20x64xf32, #tpu.memory_space<hbm>> -> memref<1x20x64xf32, #tpu.memory_space<hbm>>
    %dma_wait3A_947 = tpu.memref_squeeze %dma_wait3A_946 : memref<1x20x64xf32, #tpu.memory_space<hbm>> -> memref<20x64xf32, #tpu.memory_space<hbm>>
    %dma_wait3A_948 = arith.constant 0 : i32
    %dma_wait3A_949 = arith.constant 0 : i32
    %dma_wait3A_950 = tpu.memref_slice %arg4[%add3A_490, %dma_wait3A_948, %dma_wait3A_949] : memref<1024x20x64xf32, #tpu.memory_space<hbm>> -> memref<1x20x64xf32, #tpu.memory_space<hbm>>
    %dma_wait3A_951 = tpu.memref_squeeze %dma_wait3A_950 : memref<1x20x64xf32, #tpu.memory_space<hbm>> -> memref<20x64xf32, #tpu.memory_space<hbm>>
    %dma_wait3A_952 = arith.constant 600 : i32
    %dma_wait3A_953 = arith.constant 0 : i32
    %dma_wait3A_954 = tpu.memref_slice %arg6[%dma_wait3A_952, %dma_wait3A_953] : memref<640x64xf32, #tpu.memory_space<vmem>> -> memref<20x64xf32, #tpu.memory_space<vmem>>
    tpu.wait_dma2 semaphore(%arg7 : memref<!tpu.dma_semaphore, #tpu.memory_space<semaphore_mem>>) src(%dma_wait3A_954 : memref<20x64xf32, #tpu.memory_space<vmem>>) dst(%dma_wait3A_951 : memref<20x64xf32, #tpu.memory_space<hbm>>)
    %dma_wait3A_955 = arith.constant 620 : i32
    %dma_wait3A_956 = arith.constant 0 : i32
    %dma_wait3A_957 = tpu.memref_slice %arg6[%dma_wait3A_955, %dma_wait3A_956] : memref<640x64xf32, #tpu.memory_space<vmem>> -> memref<20x64xf32, #tpu.memory_space<vmem>>
    %dma_wait3A_958 = arith.constant 0 : i32
    %dma_wait3A_959 = arith.constant 0 : i32
    %dma_wait3A_960 = tpu.memref_slice %arg4[%add3A_506, %dma_wait3A_958, %dma_wait3A_959] : memref<1024x20x64xf32, #tpu.memory_space<hbm>> -> memref<1x20x64xf32, #tpu.memory_space<hbm>>
    %dma_wait3A_961 = tpu.memref_squeeze %dma_wait3A_960 : memref<1x20x64xf32, #tpu.memory_space<hbm>> -> memref<20x64xf32, #tpu.memory_space<hbm>>
    %dma_wait3A_962 = arith.constant 0 : i32
    %dma_wait3A_963 = arith.constant 0 : i32
    %dma_wait3A_964 = tpu.memref_slice %arg4[%add3A_506, %dma_wait3A_962, %dma_wait3A_963] : memref<1024x20x64xf32, #tpu.memory_space<hbm>> -> memref<1x20x64xf32, #tpu.memory_space<hbm>>
    %dma_wait3A_965 = tpu.memref_squeeze %dma_wait3A_964 : memref<1x20x64xf32, #tpu.memory_space<hbm>> -> memref<20x64xf32, #tpu.memory_space<hbm>>
    %dma_wait3A_966 = arith.constant 620 : i32
    %dma_wait3A_967 = arith.constant 0 : i32
    %dma_wait3A_968 = tpu.memref_slice %arg6[%dma_wait3A_966, %dma_wait3A_967] : memref<640x64xf32, #tpu.memory_space<vmem>> -> memref<20x64xf32, #tpu.memory_space<vmem>>
    tpu.wait_dma2 semaphore(%arg7 : memref<!tpu.dma_semaphore, #tpu.memory_space<semaphore_mem>>) src(%dma_wait3A_968 : memref<20x64xf32, #tpu.memory_space<vmem>>) dst(%dma_wait3A_965 : memref<20x64xf32, #tpu.memory_space<hbm>>)
    return
  }
}

</mosaic_0001>

<sc_bundles>
// kernel: kernel.3.cloned.1.call-start
scs
__scs_entry_jumppad:
0x0: {  	(pc) =	sbr.rel $0x88, $3  }
0x1: {  	(tag) =	ssettag $0x0;
	lr =	simm.s32 $0x1  }
0x2: {  	[smem:$0x3F9A] =	sst lr;
	_ =	strace $0xD0000000  }
0x3: {  	_ = 	snop  }
0x4: {  	_ = 	snop  }
0x5: {  	_ = 	snop  }
0x6: {  	_ = 	snop  }
0x7: {  	_ = 	snop  }
__scs_overlays_trampoline_lowered:
0x8: {  	[smem:$0x3FA9] =	sst s0  }
0x9: {  	[smem:$0x3FAA] =	sst s1  }
0xa: {  	[smem:$0x3FAB] =	sst s2  }
0xb: {  	[smem:$0x3FAC] =	sst s3  }
0xc: {  	[smem:$0x3FAD] =	sst s4  }
0xd: {  	[smem:$0x3FAE] =	sst s5  }
0xe: {  	[smem:$0x3FAF] =	sst s6  }
0xf: {  	[smem:$0x3FB0] =	sst s7  }
0x10: {  	[smem:$0x3FB1] =	sst s8  }
0x11: {  	[smem:$0x3FB2] =	sst s9;
	s0 =	simm.s32 @!p0 $0x0  }
0x12: {  	s1 =	sld [smem:$0x3F98];
	s0 =	simm.s32 @p0 $0x1  }
0x13: {  	[smem:$0x3FB3] =	sst s0;
	s0 =	simm.s32 @!p1 $0x0  }
0x14: {  	s2 =	sld [smem:$0x3F97];
	s0 =	simm.s32 @p1 $0x1  }
0x15: {  	[smem:$0x3FB4] =	sst s0;
	s0 =	simm.s32 @!p2 $0x0  }
0x16: {  	s3 =	sld [smem:$0x3FDB];
	s0 =	simm.s32 @p2 $0x1  }
0x17: {  	s4 =	simm.s32 $0x1BF5;
	[smem:$0x3FB6] =	sst s0  }
0x18: {  	s0 =	sld [smem:$0x3F99];
	_ =	swait.ge [sflag:s4], $0x0  }
0x19: {  	s7 =	sld [smem:$0x3F9A]  }
0x1a: {  	s8 =	sadd.s32 $0xFFFFE003, lr  }
0x1b: {  	s9 =	sadd.s32 $0xFFFFFEF7, lr;
	s5 =	simm.s32 $0xFFFFFFFF;
	p2 =	slt.u32 s8, $0xFFFFF086  }
0x1c: {  	p1 =	slt.u32 s9, $0xF7A;
	s5 =	simm.s32 @!p2 $0x0  }
0x1d: {  	s5 =	simm.s32 @p1 $0x1;
	p0 =	seq.s32 s7, s2  }
0x1e: {  	s7 =	smul.u32 @!p0 $0xF7A, s2;
	p2 =	seq.s32 @!p0 s5, $0x0  }
0x1f: {  	s9 =	smul.u32 $0xF7A, s1;
	s8 =	simm.s32 @!p0 $0x1BF5;
	p2 =	por !p2, p0  }
0x20: {  	[sflag:s8] =	ssyncset.s32 @!p0 $0xFFFFF086;
	s6 =	sadd.s32 @!p0 s3, s7;
	s7 =	simm.s32 @!p0 $0x108  }
0x21: {  	s3 =	sadd.s32 s3, s9;
	s6 =	sadd.s32 @!p0 $0x88, s6;
	s7 =	simm.s32 @p2 $0x1082  }
0x22: {  	[simem:s7], [sflag:s8] =	dma.local @!p0 [hbm:s6], $0xF7A  }
0x23: {  	s9 =	sor.u32 $0xD0000000, s2;
	s6 =	simm.s32 $0x108;
	_ =	swait.ge @!p0 [sflag:s8], $0x0  }
0x24: {  	s3 =	sadd.s32 $0x88, s3;
	s6 =	simm.s32 @!p1 $0x1082;
	[sflag:s4] =	ssyncset.s32 $0xFFFFF086  }
0x25: {  	[simem:s6], [sflag:s4] =	dma.local [hbm:s3], $0xF7A  }
0x26: {  	[smem:$0x3F9A] =	sst s1;
	(tag) =	ssettag s2;
	_ =	strace s9  }
0x27: {  	s1 =	sld [smem:$0x3FAA]  }
0x28: {  	s2 =	sld [smem:$0x3FAB]  }
0x29: {  	s4 =	sld [smem:$0x3FAD]  }
0x2a: {  	p0 =	seq.s32 s5, $0x0;
	s5 =	sld [smem:$0x3FAE]  }
0x2b: {  	s6 =	sld [smem:$0x3FAF]  }
0x2c: {  	s7 =	sld [smem:$0x3FB0]  }
0x2d: {  	s3 =	simm.s32 $0x108;
	s8 =	sld [smem:$0x3FB1]  }
0x2e: {  	s3 =	simm.s32 @!p0 $0x1082;
	s9 =	sld [smem:$0x3FB2]  }
0x2f: {  	lr =	sadd.s32 s0, s3;
	s0 =	sld [smem:$0x3FA9]  }
0x30: {  	s3 =	sld [smem:$0x3FAC]  }
0x31: {  	[smem:$0x3FB5] =	sst s10  }
0x32: {  	s10 =	sld [smem:$0x3FB3];
	_ =	sdelay $0x3  }
0x33: {  	p0 =	seq.s32 s10, $0x1;
	s10 =	sld [smem:$0x3FB5];
	_ =	sdelay $0x3  }
0x34: {  	[smem:$0x3FB5] =	sst s10  }
0x35: {  	s10 =	sld [smem:$0x3FB4];
	_ =	sdelay $0x3  }
0x36: {  	p1 =	seq.s32 s10, $0x1;
	s10 =	sld [smem:$0x3FB5];
	_ =	sdelay $0x3  }
0x37: {  	[smem:$0x3FB5] =	sst s10  }
0x38: {  	s10 =	sld [smem:$0x3FB6]  }
0x39: {  	_ = 	snop;
	(pc) =	sbr.ind lr, $3  }
0x3a: {  	_ = 	snop  }
0x3b: {  	_ = 	snop  }
0x3c: {  	p2 =	seq.s32 s10, $0x1;
	s10 =	sld [smem:$0x3FB5]  }
0x3d: {  	_ =	shalt  }
0x3e: {  	_ =	shalt  }
0x3f: {  	_ =	shalt  }
0x40: {  	_ =	shalt  }
0x41: {  	_ =	shalt  }
0x42: {  	_ =	shalt  }
0x43: {  	_ =	shalt  }
0x44: {  	_ =	shalt  }
0x45: {  	_ =	shalt  }
0x46: {  	_ =	shalt  }
0x47: {  	_ =	shalt  }
0x48: {  	_ =	shalt  }
0x49: {  	_ =	shalt  }
0x4a: {  	_ =	shalt  }
0x4b: {  	_ =	shalt  }
0x4c: {  	_ =	shalt  }
0x4d: {  	_ =	shalt  }
0x4e: {  	_ =	shalt  }
0x4f: {  	_ =	shalt  }
0x50: {  	_ =	shalt  }
0x51: {  	_ =	shalt  }
0x52: {  	_ =	shalt  }
0x53: {  	_ =	shalt  }
0x54: {  	_ =	shalt  }
0x55: {  	_ =	shalt  }
0x56: {  	_ =	shalt  }
0x57: {  	_ =	shalt  }
0x58: {  	_ =	shalt  }
0x59: {  	_ =	shalt  }
0x5a: {  	_ =	shalt  }
0x5b: {  	_ =	shalt  }
0x5c: {  	_ =	shalt  }
0x5d: {  	_ =	shalt  }
0x5e: {  	_ =	shalt  }
0x5f: {  	_ =	shalt  }
0x60: {  	_ =	shalt  }
0x61: {  	_ =	shalt  }
0x62: {  	_ =	shalt  }
0x63: {  	_ =	shalt  }
0x64: {  	_ =	shalt  }
0x65: {  	_ =	shalt  }
0x66: {  	_ =	shalt  }
0x67: {  	_ =	shalt  }
0x68: {  	_ =	shalt  }
0x69: {  	_ =	shalt  }
0x6a: {  	_ =	shalt  }
0x6b: {  	_ =	shalt  }
0x6c: {  	_ =	shalt  }
0x6d: {  	_ =	shalt  }
0x6e: {  	_ =	shalt  }
0x6f: {  	_ =	shalt  }
0x70: {  	_ =	shalt  }
0x71: {  	_ =	shalt  }
0x72: {  	_ =	shalt  }
0x73: {  	_ =	shalt  }
0x74: {  	_ =	shalt  }
0x75: {  	_ =	shalt  }
0x76: {  	_ =	shalt  }
0x77: {  	_ =	shalt  }
0x78: {  	_ =	shalt  }
0x79: {  	_ =	shalt  }
0x7a: {  	_ =	shalt  }
0x7b: {  	_ =	shalt  }
0x7c: {  	_ =	shalt  }
0x7d: {  	_ =	shalt  }
0x7e: {  	_ =	shalt  }
0x7f: {  	_ =	shalt  }
0x80: {  	_ =	shalt  }
0x81: {  	_ =	shalt  }
0x82: {  	_ =	shalt  }
0x83: {  	_ =	shalt  }
0x84: {  	_ =	shalt  }
0x85: {  	_ =	shalt  }
0x86: {  	_ =	shalt  }
0x87: {  	_ =	shalt  }
.Lfunc_end0:
.L_simem_size_0:
called_computation_lowered:
.L_overlay_start_0:
0x88: {  	s2 =	sld [smem:$0x3FD9]  }
0x89: {  	s3 =	sld [smem:$0x3FFE];
	_ =	sdelay $0x1  }
0x8a: {  	s1 =	srdreg.scid  }
0x8b: {  	s0 =	sand.u32 $0x1, s1  }
0x8c: {  	s17 =	sshll.u32 s0, $0xA;
	s2 =	sadd.s32 s3, s2  }
0x8d: {  	s2 =	sadd.s32 s2, s17  }
0x8e: {  	[smem:$0x3FC1] =	sst s2  }
0x8f: {  	_ = 	snop  }
0x90: {  	s2 =	sld [smem:$0x3FD0];
	(tm) =	ssettm $0x1  }
0x91: {  	s18 =	sld [smem:$0x3FFB];
	_ =	sdelay $0x3  }
0x92: {  	_ =	strace s18  }
0x93: {  	s3 =	sld [smem:$0x3FFC];
	_ =	sdelay $0x3  }
0x94: {  	_ =	strace s3  }
0x95: {  	s3 =	sld [smem:$0x3FFD];
	_ =	sdelay $0x3  }
0x96: {  	_ =	strace s3  }
0x97: {  	_ =	strace $0x8FFFFFFF  }
0x98: {  	s19 =	sld [smem:$0x3FDB];
	_ =	sdelay $0x1  }
0x99: {  	s4 =	simm.s32 $_scs_section_size  }
0x9a: {  	s5 =	simm.s32 $_size__tile_overlayer_lowered;
	s6 =	simm.s32 $_tile_overlayer_lowered  }
0x9b: {  	s22 =	simm.s32 $0x1BFF;
	s21 =	sshll.u32 s6, $0x1;
	s3 =	sadd.s32 s4, s19  }
0x9c: {  	s7 =	simm.s32 $0x0;
	s20 =	sshll.u32 s5, $0x1;
	s5 =	sadd.s32 s21, s3  }
0x9d: {  	[timem:s7], [sflag:s22] =	dma.local [hbm:s5], s20  }
0x9e: {  	_ =	swait.ge [sflag:s22], s20  }
0x9f: {  	s4 =	ssub.s32 $0x0, s20;
	[sflag:s22] =	ssyncset.done $0x0  }
0xa0: {  	[sflag:s22] =	ssyncadd.s32 s4;
	_ =	sdelay $0x1  }
0xa1: {  	s23 =	simm.s32 $0x1B8B  }
0xa2: {  	_ =	swait.ge [sflag:s23], $0x1  }
0xa3: {  	[sflag:s23] =	ssyncset.done $0x0  }
0xa4: {  	s25 =	simm.s32 $0x1B8E;
	s24 =	sld [smem:$0x3FFE];
	[sflag:s23] =	ssyncadd.s32 $0xFFFFFFFF  }
0xa5: {  	s26 =	simm.s32 $execute0_lowered;
	[smem:$0x3FD2] =	sst s25  }
0xa6: {  	s5 =	sshll.u32 s26, $0x1;
	_ =	strace $0x80000046;
	[dreg:$0x1] =	wrdreg $0xFFFFFFFF  }
0xa7: {  	s28 =	simm.s32 $_size_execute0_lowered;
	s3 =	sadd.s32 s3, s5;
	[dreg:$0x0] =	wrdreg $0x0  }
0xa8: {  	s5 =	sshll.u32 s28, $0x1;
	[dreg:$0x2] =	wrdreg s3  }
0xa9: {  	[dreg:$0x3] =	wrdreg s5  }
0xaa: {  	[dreg:$0x4] =	wrdreg $0xC0  }
0xab: {  	_ =	task [dreg:s7], $0x5FFFF  }
0xac: {  	[dreg:$0x1] =	wrdreg $0xFFFFFFFF  }
0xad: {  	[dreg:$0x0] =	wrdreg $0x60  }
0xae: {  	[dreg:$0x2] =	wrdreg s24  }
0xaf: {  	[dreg:$0x3] =	wrdreg s2  }
0xb0: {  	[dreg:$0x4] =	wrdreg $0x9  }
0xb1: {  	_ =	task.clear_ibuf [dreg:s7], $0x5FFFF;
	_ =	strace $0x90000046  }
0xb2: {  	s29 =	simm.s32 $0x9;
	_ =	strace $0x80000048  }
0xb3: {  	_ =	swait.ge [sflag:s29], $0x1  }
0xb4: {  	[sflag:s29] =	ssyncadd.s32 $0xFFFFFFFF  }
0xb5: {  	_ =	strace $0x90000048  }
0xb6: {  	_ =	sfence  }
0xb7: {  	s30 =	sld [smem:$0x0];
	_ =	sdelay $0x2  }
0xb8: {  	s31 =	sshll.u32 s1, $0xD;
	s1 =	sshrl.u32 s1, $0x2  }
0xb9: {  	s3 =	sand.u32 $0x4000, s31;
	s1 =	sadd.s32 s1, s30  }
0xba: {  	s0 =	sor.u32 s3, s0;
	s1 =	sshll.u32 s1, $0x11  }
0xbb: {  	s0 =	sor.u32 s1, s0  }
0xbc: {  	s0 =	sadd.s32 $0x8F2B, s0  }
0xbd: {  	[sflag:s0] =	ssyncadd.remote.s32 $0x1  }
0xbe: {  	_ =	sfence.sel $0xFFFF  }
0xbf: {  	[dreg:$0x0] =	wrdreg $0xFFFFFFFF;
	(pc) =	sbr.abs _section_cstart, $3  }
0xc0: {  	[dreg:$0x1] =	wrdreg $0xFFFFFFFF  }
0xc1: {  	_ =	task.clear_ibuf [dreg:s7], $0x2FFFF;
	_ =	strace $0x9FFFFFFF  }
0xc2: {  	(tm) =	ssettm $0x7FFFFFFF  }
0xc3: {  	_ =	shalt  }
tec
execute0_lowered:
.L_overlay_start_1:
0x0: {  	(tag) =	ssettag $0x1  }
0x1: {  	s1 =	srdreg.scid;
	s0 =	stileid.u32  }
0x2: {  	s1 =	sand.u32 $0x1, s1;
	s2 =	sshll.u32 s0, $0x1  }
0x3: {  	s3 =	rddreg [dreg:$0x0];
	s5 =	sor.u32 s1, s2  }
0x4: {  	s4 =	rddreg [dreg:$0x1];
	s2 =	simm.s32 $0x0;
	s6 =	smul.u32 $0x50, s5  }
0x5: {  	[smem:$0x7FF] =	sst s2;
	s7 =	smul.u32 $0x1400, s5  }
0x6: {  	_ =	strace $0x80000047;
	s6 =	sadd.s32 s6, s3;
	s3 =	sadd.s32 $0x400, s3  }
0x7: {  	[dreg:$0x3] =	wrdreg s3;
	s6 =	sadd.s32 $0xC00, s6;
	s3 =	sadd.s32 s4, s7  }
0x8: {  	[dreg:$0x4] =	wrdreg s6;
	s9 =	sadd.s32 $0xA0, s3  }
0x9: {  	s10 =	sadd.s32 $0x140, s3;
	[dreg:$0x5] =	wrdreg s9  }
0xa: {  	s5 =	smul.u32 $0xA000, s5;
	s11 =	sadd.s32 $0x1E0, s3;
	[dreg:$0x6] =	wrdreg s10  }
0xb: {  	s12 =	sadd.s32 $0x280, s3;
	[dreg:$0x7] =	wrdreg s11  }
0xc: {  	s5 =	sshrl.u32 s5, $0x3;
	s13 =	sadd.s32 $0x320, s3;
	[dreg:$0x8] =	wrdreg s12  }
0xd: {  	s4 =	sadd.s32 s4, s5;
	s14 =	sadd.s32 $0x3C0, s3;
	[dreg:$0x9] =	wrdreg s13  }
0xe: {  	s5 =	sadd.s32 $0x460, s4;
	[dreg:$0xa] =	wrdreg s14  }
0xf: {  	s15 =	sadd.s32 $0x500, s4;
	[dreg:$0xb] =	wrdreg s5  }
0x10: {  	s16 =	sadd.s32 $0x5A0, s4;
	[dreg:$0xc] =	wrdreg s15  }
0x11: {  	s17 =	sadd.s32 $0x640, s4;
	[dreg:$0xd] =	wrdreg s16  }
0x12: {  	s18 =	sadd.s32 $0x6E0, s4;
	[dreg:$0xe] =	wrdreg s17  }
0x13: {  	s19 =	sadd.s32 $0x780, s4;
	[dreg:$0xf] =	wrdreg s18  }
0x14: {  	s20 =	sadd.s32 $0x820, s4;
	[dreg:$0x10] =	wrdreg s19  }
0x15: {  	s21 =	sadd.s32 $0x8C0, s4;
	[dreg:$0x11] =	wrdreg s20  }
0x16: {  	s22 =	sadd.s32 $0x960, s4;
	[dreg:$0x12] =	wrdreg s21  }
0x17: {  	s23 =	sadd.s32 $0xA00, s4;
	[dreg:$0x13] =	wrdreg s22  }
0x18: {  	s24 =	sadd.s32 $0xAA0, s4;
	[dreg:$0x14] =	wrdreg s23  }
0x19: {  	s25 =	sadd.s32 $0xB40, s4;
	[dreg:$0x15] =	wrdreg s24  }
0x1a: {  	s26 =	sadd.s32 $0xBE0, s4;
	[dreg:$0x16] =	wrdreg s25  }
0x1b: {  	s0 =	sadd.s32 $0xC80, s4;
	[dreg:$0x17] =	wrdreg s26  }
0x1c: {  	s6 =	sadd.s32 $0xD20, s4;
	[dreg:$0x18] =	wrdreg s0  }
0x1d: {  	s7 =	sadd.s32 $0xDC0, s4;
	[dreg:$0x19] =	wrdreg s6  }
0x1e: {  	s8 =	sadd.s32 $0xE60, s4;
	[dreg:$0x1a] =	wrdreg s7  }
0x1f: {  	[dreg:$0x1b] =	wrdreg s8  }
0x20: {  	s9 =	sadd.s32 $0xF00, s4;
	s22 =	rddreg [dreg:$0x4]  }
0x21: {  	s10 =	sadd.s32 $0xFA0, s4;
	[dreg:$0x1c] =	wrdreg s9  }
0x22: {  	s11 =	sadd.s32 $0x1040, s4;
	[dreg:$0x1d] =	wrdreg s10  }
0x23: {  	s12 =	sadd.s32 $0x10E0, s4;
	[dreg:$0x1e] =	wrdreg s11  }
0x24: {  	s13 =	sadd.s32 $0x1180, s4;
	[dreg:$0x1f] =	wrdreg s12  }
0x25: {  	s14 =	sadd.s32 $0x1220, s4;
	[smem:$0x7FA] =	sst s13  }
0x26: {  	s15 =	sadd.s32 $0x12C0, s4;
	[smem:$0x7FB] =	sst s14  }
0x27: {  	s4 =	sadd.s32 $0x1360, s4;
	[smem:$0x7FC] =	sst s15  }
0x28: {  	s16 =	simm.s32 $0x780;
	[smem:$0x7FD] =	sst s4  }
0x29: {  	s17 =	simm.s32 $0xC80;
	[smem:$0x7F7] =	sst s16  }
0x2a: {  	s18 =	simm.s32 $0x1180;
	[smem:$0x7F8] =	sst s17  }
0x2b: {  	s19 =	simm.s32 $0x1680;
	[smem:$0x7F9] =	sst s18  }
0x2c: {  	s20 =	simm.s32 $0x1B80;
	[smem:$0x7F6] =	sst s19  }
0x2d: {  	s21 =	simm.s32 $0x2080;
	[smem:$0x7F5] =	sst s20  }
0x2e: {  	s23 =	simm.s32 $0x2580;
	[smem:$0x7F4] =	sst s21  }
0x2f: {  	s5 =	simm.s32 $0x2;
	[smem:$0x7F3] =	sst s23  }
0x30: {  	[tilespmem:s2], [sflag:$0x2] =	stream.linear.gather [hbm4b:s22+s2], $0x280, $0x38;
	[tilespmem:$0xA280] =	vst v63  }
0x31: {  	_ =	swait.ge [sflag:s5], $0x280  }
0x32: {  	s6 =	simm.s32 $0x280;
	[sflag:s5] =	ssyncset.done $0x0  }
0x33: {  	s4 =	simm.s32 $0x1;
	s24 =	rddreg [dreg:$0x3];
	[sflag:s5] =	ssyncadd.s32 $0xFFFFFD80  }
0x34: {  	[tilespmem:s6], [sflag:$0x1] =	stream.indirect.gather [hbm4b:s24+s6], $0x40, s2, s6, $0xb8;
	[tilespmem:$0xA280] =	vst v63  }
0x35: {  	_ =	swait.ge [sflag:s4], $0xA000  }
0x36: {  	s25 =	sld [smem:$0x7F3]  }
0x37: {  	s8 =	sld [smem:$0x7F4]  }
0x38: {  	s9 =	sld [smem:$0x7F5]  }
0x39: {  	s10 =	sld [smem:$0x7F6]  }
0x3a: {  	s11 =	rddreg [dreg:$0x7]  }
0x3b: {  	s12 =	rddreg [dreg:$0x6]  }
0x3c: {  	[sflag:s4] =	ssyncset.done $0x0;
	s13 =	rddreg [dreg:$0x5]  }
0x3d: {  	s14 =	sld [smem:$0x7F7];
	[sflag:s4] =	ssyncadd.s32 $0xFFFF6000  }
0x3e: {  	[hbm4b:s3+s2] =	stream.linear.scatter [tilespmem:s6], [sflag:$0x1], $0x500, $0x38;
	[tilespmem:$0xA280] =	vst v63  }
0x3f: {  	s15 =	sld [smem:$0x7F8]  }
0x40: {  	[hbm4b:s13+s2] =	stream.linear.scatter [tilespmem:s14], [sflag:$0x1], $0x500, $0x38;
	[tilespmem:$0xA280] =	vst v63  }
0x41: {  	s26 =	sld [smem:$0x7F9]  }
0x42: {  	[hbm4b:s12+s2] =	stream.linear.scatter [tilespmem:s15], [sflag:$0x1], $0x500, $0x38;
	[tilespmem:$0xA280] =	vst v63  }
0x43: {  	s0 =	rddreg [dreg:$0x8]  }
0x44: {  	[hbm4b:s11+s2] =	stream.linear.scatter [tilespmem:s26], [sflag:$0x1], $0x500, $0x38;
	[tilespmem:$0xA280] =	vst v63  }
0x45: {  	s16 =	rddreg [dreg:$0xb]  }
0x46: {  	[hbm4b:s0+s2] =	stream.linear.scatter [tilespmem:s10], [sflag:$0x1], $0x500, $0x38;
	[tilespmem:$0xA280] =	vst v63  }
0x47: {  	s14 =	rddreg [dreg:$0x9]  }
0x48: {  	[hbm4b:s14+s2] =	stream.linear.scatter [tilespmem:s9], [sflag:$0x1], $0x500, $0x38;
	[tilespmem:$0xA280] =	vst v63  }
0x49: {  	s15 =	rddreg [dreg:$0xa]  }
0x4a: {  	[hbm4b:s15+s2] =	stream.linear.scatter [tilespmem:s8], [sflag:$0x1], $0x500, $0x38;
	[tilespmem:$0xA280] =	vst v63  }
0x4b: {  	s17 =	rddreg [dreg:$0xc]  }
0x4c: {  	[hbm4b:s16+s2] =	stream.linear.scatter [tilespmem:s25], [sflag:$0x1], $0x500, $0x38;
	[tilespmem:$0xA280] =	vst v63  }
0x4d: {  	s18 =	simm.s32 $0x2A80;
	s19 =	rddreg [dreg:$0xd]  }
0x4e: {  	[hbm4b:s17+s2] =	stream.linear.scatter [tilespmem:s18], [sflag:$0x1], $0x500, $0x38;
	[tilespmem:$0xA280] =	vst v63  }
0x4f: {  	s20 =	simm.s32 $0x2F80;
	s21 =	rddreg [dreg:$0xe]  }
0x50: {  	[hbm4b:s19+s2] =	stream.linear.scatter [tilespmem:s20], [sflag:$0x1], $0x500, $0x38;
	[tilespmem:$0xA280] =	vst v63  }
0x51: {  	s22 =	simm.s32 $0x3480;
	s23 =	rddreg [dreg:$0xf]  }
0x52: {  	[hbm4b:s21+s2] =	stream.linear.scatter [tilespmem:s22], [sflag:$0x1], $0x500, $0x38;
	[tilespmem:$0xA280] =	vst v63  }
0x53: {  	s24 =	simm.s32 $0x3980;
	s7 =	rddreg [dreg:$0x11]  }
0x54: {  	[hbm4b:s23+s2] =	stream.linear.scatter [tilespmem:s24], [sflag:$0x1], $0x500, $0x38;
	[tilespmem:$0xA280] =	vst v63  }
0x55: {  	s26 =	simm.s32 $0x3E80;
	s25 =	rddreg [dreg:$0x10]  }
0x56: {  	[hbm4b:s25+s2] =	stream.linear.scatter [tilespmem:s26], [sflag:$0x1], $0x500, $0x38;
	[tilespmem:$0xA280] =	vst v63  }
0x57: {  	s28 =	rddreg [dreg:$0x1f];
	s8 =	simm.s32 $0x4380  }
0x58: {  	[hbm4b:s7+s2] =	stream.linear.scatter [tilespmem:s8], [sflag:$0x1], $0x500, $0x38;
	[tilespmem:$0xA280] =	vst v63  }
0x59: {  	s10 =	simm.s32 $0x4880;
	s9 =	rddreg [dreg:$0x12]  }
0x5a: {  	[hbm4b:s9+s2] =	stream.linear.scatter [tilespmem:s10], [sflag:$0x1], $0x500, $0x38;
	[tilespmem:$0xA280] =	vst v63  }
0x5b: {  	s12 =	simm.s32 $0x4D80;
	s11 =	rddreg [dreg:$0x13]  }
0x5c: {  	[hbm4b:s11+s2] =	stream.linear.scatter [tilespmem:s12], [sflag:$0x1], $0x500, $0x38;
	[tilespmem:$0xA280] =	vst v63  }
0x5d: {  	s15 =	simm.s32 $0x5280;
	s16 =	rddreg [dreg:$0x14]  }
0x5e: {  	[hbm4b:s16+s2] =	stream.linear.scatter [tilespmem:s15], [sflag:$0x1], $0x500, $0x38;
	[tilespmem:$0xA280] =	vst v63  }
0x5f: {  	s17 =	rddreg [dreg:$0x15];
	s16 =	simm.s32 $0x5780  }
0x60: {  	[hbm4b:s17+s2] =	stream.linear.scatter [tilespmem:s16], [sflag:$0x1], $0x500, $0x38;
	[tilespmem:$0xA280] =	vst v63  }
0x61: {  	s18 =	rddreg [dreg:$0x16];
	s17 =	simm.s32 $0x5C80  }
0x62: {  	[hbm4b:s18+s2] =	stream.linear.scatter [tilespmem:s17], [sflag:$0x1], $0x500, $0x38;
	[tilespmem:$0xA280] =	vst v63  }
0x63: {  	s19 =	rddreg [dreg:$0x17];
	s18 =	simm.s32 $0x6180  }
0x64: {  	[hbm4b:s19+s2] =	stream.linear.scatter [tilespmem:s18], [sflag:$0x1], $0x500, $0x38;
	[tilespmem:$0xA280] =	vst v63  }
0x65: {  	s20 =	rddreg [dreg:$0x18];
	s19 =	simm.s32 $0x6680  }
0x66: {  	[hbm4b:s20+s2] =	stream.linear.scatter [tilespmem:s19], [sflag:$0x1], $0x500, $0x38;
	[tilespmem:$0xA280] =	vst v63  }
0x67: {  	s21 =	rddreg [dreg:$0x19];
	s20 =	simm.s32 $0x6B80  }
0x68: {  	[hbm4b:s21+s2] =	stream.linear.scatter [tilespmem:s20], [sflag:$0x1], $0x500, $0x38;
	[tilespmem:$0xA280] =	vst v63  }
0x69: {  	s22 =	rddreg [dreg:$0x1a];
	s21 =	simm.s32 $0x7080  }
0x6a: {  	[hbm4b:s22+s2] =	stream.linear.scatter [tilespmem:s21], [sflag:$0x1], $0x500, $0x38;
	[tilespmem:$0xA280] =	vst v63  }
0x6b: {  	s23 =	rddreg [dreg:$0x1b];
	s22 =	simm.s32 $0x7580  }
0x6c: {  	[hbm4b:s23+s2] =	stream.linear.scatter [tilespmem:s22], [sflag:$0x1], $0x500, $0x38;
	[tilespmem:$0xA280] =	vst v63  }
0x6d: {  	s24 =	rddreg [dreg:$0x1c];
	s23 =	simm.s32 $0x7A80  }
0x6e: {  	[hbm4b:s24+s2] =	stream.linear.scatter [tilespmem:s23], [sflag:$0x1], $0x500, $0x38;
	[tilespmem:$0xA280] =	vst v63  }
0x6f: {  	s25 =	rddreg [dreg:$0x1d];
	s24 =	simm.s32 $0x7F80  }
0x70: {  	[hbm4b:s25+s2] =	stream.linear.scatter [tilespmem:s24], [sflag:$0x1], $0x500, $0x38;
	[tilespmem:$0xA280] =	vst v63  }
0x71: {  	s26 =	rddreg [dreg:$0x1e];
	s25 =	simm.s32 $0x8480  }
0x72: {  	[hbm4b:s26+s2] =	stream.linear.scatter [tilespmem:s25], [sflag:$0x1], $0x500, $0x38;
	[tilespmem:$0xA280] =	vst v63  }
0x73: {  	s29 =	sld [smem:$0x7FA];
	s26 =	simm.s32 $0x8980  }
0x74: {  	[hbm4b:s28+s2] =	stream.linear.scatter [tilespmem:s26], [sflag:$0x1], $0x500, $0x38;
	[tilespmem:$0xA280] =	vst v63  }
0x75: {  	s30 =	sld [smem:$0x7FB];
	s28 =	simm.s32 $0x8E80  }
0x76: {  	[hbm4b:s29+s2] =	stream.linear.scatter [tilespmem:s28], [sflag:$0x1], $0x500, $0x38;
	[tilespmem:$0xA280] =	vst v63  }
0x77: {  	s31 =	sld [smem:$0x7FC];
	s29 =	simm.s32 $0x9380  }
0x78: {  	[hbm4b:s30+s2] =	stream.linear.scatter [tilespmem:s29], [sflag:$0x1], $0x500, $0x38;
	[tilespmem:$0xA280] =	vst v63  }
0x79: {  	s13 =	sld [smem:$0x7FD];
	s30 =	simm.s32 $0x9880  }
0x7a: {  	[hbm4b:s31+s2] =	stream.linear.scatter [tilespmem:s30], [sflag:$0x1], $0x500, $0x38;
	[tilespmem:$0xA280] =	vst v63  }
0x7b: {  	s31 =	simm.s32 $0x9D80  }
0x7c: {  	[hbm4b:s13+s2] =	stream.linear.scatter [tilespmem:s31], [sflag:$0x1], $0x500, $0x38;
	[tilespmem:$0xA280] =	vst v63  }
0x7d: {  	_ =	swait.ge [sflag:s4], $0x500  }
0x7e: {  	[sflag:s4] =	ssyncset.done $0x0  }
0x7f: {  	[sflag:s4] =	ssyncadd.s32 $0xFFFFFB00  }
0x80: {  	_ =	swait.ge [sflag:s4], $0x500  }
0x81: {  	[sflag:s4] =	ssyncset.done $0x0  }
0x82: {  	[sflag:s4] =	ssyncadd.s32 $0xFFFFFB00  }
0x83: {  	_ =	swait.ge [sflag:s4], $0x500  }
0x84: {  	[sflag:s4] =	ssyncset.done $0x0  }
0x85: {  	[sflag:s4] =	ssyncadd.s32 $0xFFFFFB00  }
0x86: {  	_ =	swait.ge [sflag:s4], $0x500  }
0x87: {  	[sflag:s4] =	ssyncset.done $0x0  }
0x88: {  	[sflag:s4] =	ssyncadd.s32 $0xFFFFFB00  }
0x89: {  	_ =	swait.ge [sflag:s4], $0x500  }
0x8a: {  	[sflag:s4] =	ssyncset.done $0x0  }
0x8b: {  	[sflag:s4] =	ssyncadd.s32 $0xFFFFFB00  }
0x8c: {  	_ =	swait.ge [sflag:s4], $0x500  }
0x8d: {  	[sflag:s4] =	ssyncset.done $0x0  }
0x8e: {  	[sflag:s4] =	ssyncadd.s32 $0xFFFFFB00  }
0x8f: {  	_ =	swait.ge [sflag:s4], $0x500  }
0x90: {  	[sflag:s4] =	ssyncset.done $0x0  }
0x91: {  	[sflag:s4] =	ssyncadd.s32 $0xFFFFFB00  }
0x92: {  	_ =	swait.ge [sflag:s4], $0x500  }
0x93: {  	[sflag:s4] =	ssyncset.done $0x0  }
0x94: {  	[sflag:s4] =	ssyncadd.s32 $0xFFFFFB00  }
0x95: {  	_ =	swait.ge [sflag:s4], $0x500  }
0x96: {  	[sflag:s4] =	ssyncset.done $0x0  }
0x97: {  	[sflag:s4] =	ssyncadd.s32 $0xFFFFFB00  }
0x98: {  	_ =	swait.ge [sflag:s4], $0x500  }
0x99: {  	[sflag:s4] =	ssyncset.done $0x0  }
0x9a: {  	[sflag:s4] =	ssyncadd.s32 $0xFFFFFB00  }
0x9b: {  	_ =	swait.ge [sflag:s4], $0x500  }
0x9c: {  	[sflag:s4] =	ssyncset.done $0x0  }
0x9d: {  	[sflag:s4] =	ssyncadd.s32 $0xFFFFFB00  }
0x9e: {  	_ =	swait.ge [sflag:s4], $0x500  }
0x9f: {  	[sflag:s4] =	ssyncset.done $0x0  }
0xa0: {  	[sflag:s4] =	ssyncadd.s32 $0xFFFFFB00  }
0xa1: {  	_ =	swait.ge [sflag:s4], $0x500  }
0xa2: {  	[sflag:s4] =	ssyncset.done $0x0  }
0xa3: {  	[sflag:s4] =	ssyncadd.s32 $0xFFFFFB00  }
0xa4: {  	_ =	swait.ge [sflag:s4], $0x500  }
0xa5: {  	[sflag:s4] =	ssyncset.done $0x0  }
0xa6: {  	[sflag:s4] =	ssyncadd.s32 $0xFFFFFB00  }
0xa7: {  	_ =	swait.ge [sflag:s4], $0x500  }
0xa8: {  	[sflag:s4] =	ssyncset.done $0x0  }
0xa9: {  	[sflag:s4] =	ssyncadd.s32 $0xFFFFFB00  }
0xaa: {  	_ =	swait.ge [sflag:s4], $0x500  }
0xab: {  	[sflag:s4] =	ssyncset.done $0x0  }
0xac: {  	[sflag:s4] =	ssyncadd.s32 $0xFFFFFB00  }
0xad: {  	_ =	swait.ge [sflag:s4], $0x500  }
0xae: {  	[sflag:s4] =	ssyncset.done $0x0  }
0xaf: {  	[sflag:s4] =	ssyncadd.s32 $0xFFFFFB00  }
0xb0: {  	_ =	swait.ge [sflag:s4], $0x500  }
0xb1: {  	[sflag:s4] =	ssyncset.done $0x0  }
0xb2: {  	[sflag:s4] =	ssyncadd.s32 $0xFFFFFB00  }
0xb3: {  	_ =	swait.ge [sflag:s4], $0x500  }
0xb4: {  	[sflag:s4] =	ssyncset.done $0x0  }
0xb5: {  	[sflag:s4] =	ssyncadd.s32 $0xFFFFFB00  }
0xb6: {  	_ =	swait.ge [sflag:s4], $0x500  }
0xb7: {  	[sflag:s4] =	ssyncset.done $0x0  }
0xb8: {  	[sflag:s4] =	ssyncadd.s32 $0xFFFFFB00  }
0xb9: {  	_ =	swait.ge [sflag:s4], $0x500  }
0xba: {  	[sflag:s4] =	ssyncset.done $0x0  }
0xbb: {  	[sflag:s4] =	ssyncadd.s32 $0xFFFFFB00  }
0xbc: {  	_ =	swait.ge [sflag:s4], $0x500  }
0xbd: {  	[sflag:s4] =	ssyncset.done $0x0  }
0xbe: {  	[sflag:s4] =	ssyncadd.s32 $0xFFFFFB00  }
0xbf: {  	_ =	swait.ge [sflag:s4], $0x500  }
0xc0: {  	[sflag:s4] =	ssyncset.done $0x0  }
0xc1: {  	[sflag:s4] =	ssyncadd.s32 $0xFFFFFB00  }
0xc2: {  	_ =	swait.ge [sflag:s4], $0x500  }
0xc3: {  	[sflag:s4] =	ssyncset.done $0x0  }
0xc4: {  	[sflag:s4] =	ssyncadd.s32 $0xFFFFFB00  }
0xc5: {  	_ =	swait.ge [sflag:s4], $0x500  }
0xc6: {  	[sflag:s4] =	ssyncset.done $0x0  }
0xc7: {  	[sflag:s4] =	ssyncadd.s32 $0xFFFFFB00  }
0xc8: {  	_ =	swait.ge [sflag:s4], $0x500  }
0xc9: {  	[sflag:s4] =	ssyncset.done $0x0  }
0xca: {  	[sflag:s4] =	ssyncadd.s32 $0xFFFFFB00  }
0xcb: {  	_ =	swait.ge [sflag:s4], $0x500  }
0xcc: {  	s14 =	ssub.s32 $0x2, s1;
	[sflag:s4] =	ssyncset.done $0x0  }
0xcd: {  	s1 =	sshrl.u32 s14, $0x1;
	[sflag:s4] =	ssyncadd.s32 $0xFFFFFB00  }
0xce: {  	s0 =	ssub.s32 s14, s1;
	_ =	swait.ge [sflag:s4], $0x500  }
0xcf: {  	s0 =	smax.u32 s0, $0x1;
	[sflag:s4] =	ssyncset.done $0x0  }
0xd0: {  	p0 =	sne.s32 s0, $0x1;
	[sflag:s4] =	ssyncadd.s32 $0xFFFFFB00  }
.Ltmp0:
0xd1: {  	_ =	swait.ge [sflag:s4], $0x500;
	(pc) =	sbr.rel @!p0 .LBB2_2-.Ltmp0, $4  }
0xd2: {  	[sflag:s4] =	ssyncset.done $0x0  }
0xd3: {  	[sflag:s4] =	ssyncadd.s32 $0xFFFFFB00  }
0xd4: {  	_ =	swait.ge [sflag:s4], $0x500  }
0xd5: {  	s1 =	sadd.s32 $0xFFFFFFFF, s0;
	[sflag:s4] =	ssyncset.done $0x0  }
.LBB2_1:
0xd6: {  	[sflag:s4] =	ssyncadd.s32 $0xFFFFFB00  }
0xd7: {  	_ =	swait.ge [sflag:s4], $0x500  }
0xd8: {  	[sflag:s4] =	ssyncset.done $0x0  }
0xd9: {  	[sflag:s4] =	ssyncadd.s32 $0xFFFFFB00  }
0xda: {  	_ =	swait.ge [sflag:s4], $0x500  }
0xdb: {  	[sflag:s4] =	ssyncset.done $0x0  }
0xdc: {  	s0 =	rddreg [dreg:$0x4];
	[sflag:s4] =	ssyncadd.s32 $0xFFFFFB00  }
0xdd: {  	[tilespmem:s2], [sflag:$0x2] =	stream.linear.gather [hbm4b:s0+s2], $0x280, $0x38;
	[tilespmem:$0xA280] =	vst v63  }
0xde: {  	_ =	swait.ge [sflag:s5], $0x280  }
0xdf: {  	[sflag:s5] =	ssyncset.done $0x0  }
0xe0: {  	s12 =	rddreg [dreg:$0x3];
	[sflag:s5] =	ssyncadd.s32 $0xFFFFFD80  }
0xe1: {  	[tilespmem:s6], [sflag:$0x1] =	stream.indirect.gather [hbm4b:s12+s6], $0x40, s2, s6, $0xb8;
	[tilespmem:$0xA280] =	vst v63  }
0xe2: {  	_ =	swait.ge [sflag:s4], $0xA000  }
0xe3: {  	s0 =	sld [smem:$0x7F3]  }
0xe4: {  	s7 =	sld [smem:$0x7F4]  }
0xe5: {  	s8 =	sld [smem:$0x7F5]  }
0xe6: {  	s9 =	sld [smem:$0x7F6]  }
0xe7: {  	s10 =	rddreg [dreg:$0x7]  }
0xe8: {  	s11 =	rddreg [dreg:$0x6]  }
0xe9: {  	[sflag:s4] =	ssyncset.done $0x0;
	s12 =	rddreg [dreg:$0x5]  }
0xea: {  	s13 =	sld [smem:$0x7F7];
	[sflag:s4] =	ssyncadd.s32 $0xFFFF6000  }
0xeb: {  	[hbm4b:s3+s2] =	stream.linear.scatter [tilespmem:s6], [sflag:$0x1], $0x500, $0x38;
	[tilespmem:$0xA280] =	vst v63  }
0xec: {  	s14 =	sld [smem:$0x7F8]  }
0xed: {  	[hbm4b:s12+s2] =	stream.linear.scatter [tilespmem:s13], [sflag:$0x1], $0x500, $0x38;
	[tilespmem:$0xA280] =	vst v63  }
0xee: {  	s13 =	sld [smem:$0x7F9]  }
0xef: {  	[hbm4b:s11+s2] =	stream.linear.scatter [tilespmem:s14], [sflag:$0x1], $0x500, $0x38;
	[tilespmem:$0xA280] =	vst v63  }
0xf0: {  	s12 =	rddreg [dreg:$0x9]  }
0xf1: {  	[hbm4b:s10+s2] =	stream.linear.scatter [tilespmem:s13], [sflag:$0x1], $0x500, $0x38;
	[tilespmem:$0xA280] =	vst v63  }
0xf2: {  	s14 =	rddreg [dreg:$0x8]  }
0xf3: {  	[hbm4b:s14+s2] =	stream.linear.scatter [tilespmem:s9], [sflag:$0x1], $0x500, $0x38;
	[tilespmem:$0xA280] =	vst v63  }
0xf4: {  	s13 =	rddreg [dreg:$0xa]  }
0xf5: {  	[hbm4b:s12+s2] =	stream.linear.scatter [tilespmem:s8], [sflag:$0x1], $0x500, $0x38;
	[tilespmem:$0xA280] =	vst v63  }
0xf6: {  	s10 =	rddreg [dreg:$0xd]  }
0xf7: {  	[hbm4b:s13+s2] =	stream.linear.scatter [tilespmem:s7], [sflag:$0x1], $0x500, $0x38;
	[tilespmem:$0xA280] =	vst v63  }
0xf8: {  	s14 =	rddreg [dreg:$0xb]  }
0xf9: {  	[hbm4b:s14+s2] =	stream.linear.scatter [tilespmem:s0], [sflag:$0x1], $0x500, $0x38;
	[tilespmem:$0xA280] =	vst v63  }
0xfa: {  	s11 =	simm.s32 $0x2A80;
	s9 =	rddreg [dreg:$0xc]  }
0xfb: {  	[hbm4b:s9+s2] =	stream.linear.scatter [tilespmem:s11], [sflag:$0x1], $0x500, $0x38;
	[tilespmem:$0xA280] =	vst v63  }
0xfc: {  	s12 =	rddreg [dreg:$0xe];
	s13 =	simm.s32 $0x2F80  }
0xfd: {  	[hbm4b:s10+s2] =	stream.linear.scatter [tilespmem:s13], [sflag:$0x1], $0x500, $0x38;
	[tilespmem:$0xA280] =	vst v63  }
0xfe: {  	s8 =	rddreg [dreg:$0x16];
	s9 =	simm.s32 $0x3480  }
0xff: {  	[hbm4b:s12+s2] =	stream.linear.scatter [tilespmem:s9], [sflag:$0x1], $0x500, $0x38;
	[tilespmem:$0xA280] =	vst v63  }
0x100: {  	s14 =	rddreg [dreg:$0xf];
	s11 =	simm.s32 $0x3980  }
0x101: {  	[hbm4b:s14+s2] =	stream.linear.scatter [tilespmem:s11], [sflag:$0x1], $0x500, $0x38;
	[tilespmem:$0xA280] =	vst v63  }
0x102: {  	s10 =	rddreg [dreg:$0x10];
	s13 =	simm.s32 $0x3E80  }
0x103: {  	[hbm4b:s10+s2] =	stream.linear.scatter [tilespmem:s13], [sflag:$0x1], $0x500, $0x38;
	[tilespmem:$0xA280] =	vst v63  }
0x104: {  	s12 =	rddreg [dreg:$0x11];
	s9 =	simm.s32 $0x4380  }
0x105: {  	[hbm4b:s12+s2] =	stream.linear.scatter [tilespmem:s9], [sflag:$0x1], $0x500, $0x38;
	[tilespmem:$0xA280] =	vst v63  }
0x106: {  	s14 =	rddreg [dreg:$0x12];
	s11 =	simm.s32 $0x4880  }
0x107: {  	[hbm4b:s14+s2] =	stream.linear.scatter [tilespmem:s11], [sflag:$0x1], $0x500, $0x38;
	[tilespmem:$0xA280] =	vst v63  }
0x108: {  	s10 =	rddreg [dreg:$0x13];
	s13 =	simm.s32 $0x4D80  }
0x109: {  	[hbm4b:s10+s2] =	stream.linear.scatter [tilespmem:s13], [sflag:$0x1], $0x500, $0x38;
	[tilespmem:$0xA280] =	vst v63  }
0x10a: {  	s12 =	rddreg [dreg:$0x14]  }
0x10b: {  	[hbm4b:s12+s2] =	stream.linear.scatter [tilespmem:s15], [sflag:$0x1], $0x500, $0x38;
	[tilespmem:$0xA280] =	vst v63  }
0x10c: {  	s14 =	rddreg [dreg:$0x15]  }
0x10d: {  	[hbm4b:s14+s2] =	stream.linear.scatter [tilespmem:s16], [sflag:$0x1], $0x500, $0x38;
	[tilespmem:$0xA280] =	vst v63  }
0x10e: {  	s9 =	rddreg [dreg:$0x17]  }
0x10f: {  	[hbm4b:s8+s2] =	stream.linear.scatter [tilespmem:s17], [sflag:$0x1], $0x500, $0x38;
	[tilespmem:$0xA280] =	vst v63  }
0x110: {  	s11 =	rddreg [dreg:$0x19]  }
0x111: {  	[hbm4b:s9+s2] =	stream.linear.scatter [tilespmem:s18], [sflag:$0x1], $0x500, $0x38;
	[tilespmem:$0xA280] =	vst v63  }
0x112: {  	s10 =	rddreg [dreg:$0x18]  }
0x113: {  	[hbm4b:s10+s2] =	stream.linear.scatter [tilespmem:s19], [sflag:$0x1], $0x500, $0x38;
	[tilespmem:$0xA280] =	vst v63  }
0x114: {  	s13 =	rddreg [dreg:$0x1b]  }
0x115: {  	[hbm4b:s11+s2] =	stream.linear.scatter [tilespmem:s20], [sflag:$0x1], $0x500, $0x38;
	[tilespmem:$0xA280] =	vst v63  }
0x116: {  	s12 =	rddreg [dreg:$0x1a]  }
0x117: {  	[hbm4b:s12+s2] =	stream.linear.scatter [tilespmem:s21], [sflag:$0x1], $0x500, $0x38;
	[tilespmem:$0xA280] =	vst v63  }
0x118: {  	s14 =	rddreg [dreg:$0x1c]  }
0x119: {  	[hbm4b:s13+s2] =	stream.linear.scatter [tilespmem:s22], [sflag:$0x1], $0x500, $0x38;
	[tilespmem:$0xA280] =	vst v63  }
0x11a: {  	s8 =	rddreg [dreg:$0x1d]  }
0x11b: {  	[hbm4b:s14+s2] =	stream.linear.scatter [tilespmem:s23], [sflag:$0x1], $0x500, $0x38;
	[tilespmem:$0xA280] =	vst v63  }
0x11c: {  	s9 =	rddreg [dreg:$0x1e]  }
0x11d: {  	[hbm4b:s8+s2] =	stream.linear.scatter [tilespmem:s24], [sflag:$0x1], $0x500, $0x38;
	[tilespmem:$0xA280] =	vst v63  }
0x11e: {  	s10 =	rddreg [dreg:$0x1f]  }
0x11f: {  	[hbm4b:s9+s2] =	stream.linear.scatter [tilespmem:s25], [sflag:$0x1], $0x500, $0x38;
	[tilespmem:$0xA280] =	vst v63  }
0x120: {  	s11 =	sld [smem:$0x7FA]  }
0x121: {  	[hbm4b:s10+s2] =	stream.linear.scatter [tilespmem:s26], [sflag:$0x1], $0x500, $0x38;
	[tilespmem:$0xA280] =	vst v63  }
0x122: {  	s12 =	sld [smem:$0x7FB]  }
0x123: {  	[hbm4b:s11+s2] =	stream.linear.scatter [tilespmem:s28], [sflag:$0x1], $0x500, $0x38;
	[tilespmem:$0xA280] =	vst v63  }
0x124: {  	s13 =	sld [smem:$0x7FC]  }
0x125: {  	[hbm4b:s12+s2] =	stream.linear.scatter [tilespmem:s29], [sflag:$0x1], $0x500, $0x38;
	[tilespmem:$0xA280] =	vst v63  }
0x126: {  	s14 =	sld [smem:$0x7FD]  }
0x127: {  	[hbm4b:s13+s2] =	stream.linear.scatter [tilespmem:s30], [sflag:$0x1], $0x500, $0x38;
	[tilespmem:$0xA280] =	vst v63  }
0x128: {  	_ = 	snop  }
0x129: {  	[hbm4b:s14+s2] =	stream.linear.scatter [tilespmem:s31], [sflag:$0x1], $0x500, $0x38;
	[tilespmem:$0xA280] =	vst v63  }
0x12a: {  	_ =	swait.ge [sflag:s4], $0x500  }
0x12b: {  	[sflag:s4] =	ssyncset.done $0x0  }
0x12c: {  	[sflag:s4] =	ssyncadd.s32 $0xFFFFFB00  }
0x12d: {  	_ =	swait.ge [sflag:s4], $0x500  }
0x12e: {  	[sflag:s4] =	ssyncset.done $0x0  }
0x12f: {  	[sflag:s4] =	ssyncadd.s32 $0xFFFFFB00  }
0x130: {  	_ =	swait.ge [sflag:s4], $0x500  }
0x131: {  	[sflag:s4] =	ssyncset.done $0x0  }
0x132: {  	[sflag:s4] =	ssyncadd.s32 $0xFFFFFB00  }
0x133: {  	_ =	swait.ge [sflag:s4], $0x500  }
0x134: {  	[sflag:s4] =	ssyncset.done $0x0  }
0x135: {  	[sflag:s4] =	ssyncadd.s32 $0xFFFFFB00  }
0x136: {  	_ =	swait.ge [sflag:s4], $0x500  }
0x137: {  	[sflag:s4] =	ssyncset.done $0x0  }
0x138: {  	[sflag:s4] =	ssyncadd.s32 $0xFFFFFB00  }
0x139: {  	_ =	swait.ge [sflag:s4], $0x500  }
0x13a: {  	[sflag:s4] =	ssyncset.done $0x0  }
0x13b: {  	[sflag:s4] =	ssyncadd.s32 $0xFFFFFB00  }
0x13c: {  	_ =	swait.ge [sflag:s4], $0x500  }
0x13d: {  	[sflag:s4] =	ssyncset.done $0x0  }
0x13e: {  	[sflag:s4] =	ssyncadd.s32 $0xFFFFFB00  }
0x13f: {  	_ =	swait.ge [sflag:s4], $0x500  }
0x140: {  	[sflag:s4] =	ssyncset.done $0x0  }
0x141: {  	[sflag:s4] =	ssyncadd.s32 $0xFFFFFB00  }
0x142: {  	_ =	swait.ge [sflag:s4], $0x500  }
0x143: {  	[sflag:s4] =	ssyncset.done $0x0  }
0x144: {  	[sflag:s4] =	ssyncadd.s32 $0xFFFFFB00  }
0x145: {  	_ =	swait.ge [sflag:s4], $0x500  }
0x146: {  	[sflag:s4] =	ssyncset.done $0x0  }
0x147: {  	[sflag:s4] =	ssyncadd.s32 $0xFFFFFB00  }
0x148: {  	_ =	swait.ge [sflag:s4], $0x500  }
0x149: {  	[sflag:s4] =	ssyncset.done $0x0  }
0x14a: {  	[sflag:s4] =	ssyncadd.s32 $0xFFFFFB00  }
0x14b: {  	_ =	swait.ge [sflag:s4], $0x500  }
0x14c: {  	[sflag:s4] =	ssyncset.done $0x0  }
0x14d: {  	[sflag:s4] =	ssyncadd.s32 $0xFFFFFB00  }
0x14e: {  	_ =	swait.ge [sflag:s4], $0x500  }
0x14f: {  	[sflag:s4] =	ssyncset.done $0x0  }
0x150: {  	[sflag:s4] =	ssyncadd.s32 $0xFFFFFB00  }
0x151: {  	_ =	swait.ge [sflag:s4], $0x500  }
0x152: {  	[sflag:s4] =	ssyncset.done $0x0  }
0x153: {  	[sflag:s4] =	ssyncadd.s32 $0xFFFFFB00  }
0x154: {  	_ =	swait.ge [sflag:s4], $0x500  }
0x155: {  	[sflag:s4] =	ssyncset.done $0x0  }
0x156: {  	[sflag:s4] =	ssyncadd.s32 $0xFFFFFB00  }
0x157: {  	_ =	swait.ge [sflag:s4], $0x500  }
0x158: {  	[sflag:s4] =	ssyncset.done $0x0  }
0x159: {  	[sflag:s4] =	ssyncadd.s32 $0xFFFFFB00  }
0x15a: {  	_ =	swait.ge [sflag:s4], $0x500  }
0x15b: {  	[sflag:s4] =	ssyncset.done $0x0  }
0x15c: {  	[sflag:s4] =	ssyncadd.s32 $0xFFFFFB00  }
0x15d: {  	_ =	swait.ge [sflag:s4], $0x500  }
0x15e: {  	[sflag:s4] =	ssyncset.done $0x0  }
0x15f: {  	[sflag:s4] =	ssyncadd.s32 $0xFFFFFB00  }
0x160: {  	_ =	swait.ge [sflag:s4], $0x500  }
0x161: {  	[sflag:s4] =	ssyncset.done $0x0  }
0x162: {  	[sflag:s4] =	ssyncadd.s32 $0xFFFFFB00  }
0x163: {  	_ =	swait.ge [sflag:s4], $0x500  }
0x164: {  	[sflag:s4] =	ssyncset.done $0x0  }
0x165: {  	[sflag:s4] =	ssyncadd.s32 $0xFFFFFB00  }
0x166: {  	_ =	swait.ge [sflag:s4], $0x500  }
0x167: {  	[sflag:s4] =	ssyncset.done $0x0  }
0x168: {  	[sflag:s4] =	ssyncadd.s32 $0xFFFFFB00  }
0x169: {  	_ =	swait.ge [sflag:s4], $0x500  }
0x16a: {  	[sflag:s4] =	ssyncset.done $0x0  }
0x16b: {  	[sflag:s4] =	ssyncadd.s32 $0xFFFFFB00  }
0x16c: {  	_ =	swait.ge [sflag:s4], $0x500  }
0x16d: {  	[sflag:s4] =	ssyncset.done $0x0  }
0x16e: {  	[sflag:s4] =	ssyncadd.s32 $0xFFFFFB00  }
0x16f: {  	_ =	swait.ge [sflag:s4], $0x500  }
0x170: {  	[sflag:s4] =	ssyncset.done $0x0  }
0x171: {  	[sflag:s4] =	ssyncadd.s32 $0xFFFFFB00  }
0x172: {  	_ =	swait.ge [sflag:s4], $0x500  }
0x173: {  	[sflag:s4] =	ssyncset.done $0x0  }
0x174: {  	[sflag:s4] =	ssyncadd.s32 $0xFFFFFB00  }
0x175: {  	_ =	swait.ge [sflag:s4], $0x500  }
0x176: {  	[sflag:s4] =	ssyncset.done $0x0  }
0x177: {  	[sflag:s4] =	ssyncadd.s32 $0xFFFFFB00  }
0x178: {  	_ =	swait.ge [sflag:s4], $0x500  }
0x179: {  	[sflag:s4] =	ssyncset.done $0x0  }
0x17a: {  	[sflag:s4] =	ssyncadd.s32 $0xFFFFFB00  }
0x17b: {  	_ =	swait.ge [sflag:s4], $0x500  }
0x17c: {  	[sflag:s4] =	ssyncset.done $0x0  }
0x17d: {  	p0 =	sne.s32 s1, $0x1;
	[sflag:s4] =	ssyncadd.s32 $0xFFFFFB00  }
.Ltmp1:
0x17e: {  	_ =	swait.ge [sflag:s4], $0x500;
	(pc) =	sbr.rel @p0 .LBB2_1-.Ltmp1, $4  }
0x17f: {  	[sflag:s4] =	ssyncset.done $0x0  }
0x180: {  	[sflag:s4] =	ssyncadd.s32 $0xFFFFFB00  }
0x181: {  	_ =	swait.ge [sflag:s4], $0x500  }
0x182: {  	s1 =	sadd.s32 $0xFFFFFFFF, s1;
	[sflag:s4] =	ssyncset.done $0x0  }
.LBB2_2:
0x183: {  	[sflag:s4] =	ssyncadd.s32 $0xFFFFFB00  }
0x184: {  	_ =	swait.ge [sflag:s4], $0x500  }
0x185: {  	[sflag:s4] =	ssyncset.done $0x0  }
0x186: {  	[sflag:s4] =	ssyncadd.s32 $0xFFFFFB00  }
0x187: {  	_ =	swait.ge [sflag:s4], $0x500  }
0x188: {  	[sflag:s4] =	ssyncset.done $0x0  }
0x189: {  	[sflag:s4] =	ssyncadd.s32 $0xFFFFFB00  }
0x18a: {  	_ =	sfence.sel $0x180000  }
0x18b: {  	[bflag:$0x0] =	sbarrier.arrive $0xFFFF  }
0x18c: {  	_ =	strace $0x90000047  }
0x18d: {  	s0 =	stileid.u32;
	[bflag:$0x2] =	sbarrier.arrive $0xFFFF  }
0x18e: {  	p0 =	sne.s32 s0, $0x0;
	s0 =	rddreg [dreg:$0x2]  }
0x18f: {  	s0 =	sadd.s32 @!p0 $0x100000, s0  }
0x190: {  	[sflag:s0] =	ssyncadd.tile.s32 @!p0 $0x1;
	_ =	shalt  }
.Lfunc_end2:
_tile_overlayer_lowered:
.L_overlay_start_2:
0x191: {  	(tag) =	ssettag $0x2  }
0x192: {  	s0 =	rddreg [dreg:$0x0];
	s2 =	stileid.u32  }
0x193: {  	s1 =	rddreg [dreg:$0x1];
	p0 =	sne.s32 s2, $0x0  }
0x194: {  	s3 =	rddreg [dreg:$0x2];
	[bflag:$0x3] =	sbarrier.arrive $0xFFFF;
	s2 =	simm.s32 @!p0 $0x1C02  }
0x195: {  	[timem:s3], [sflag:s2] =	dma.local @!p0 [hbm:s0], s1  }
0x196: {  	s0 =	simm.s32 @!p0 $0x2  }
0x197: {  	_ =	swait.ge @!p0 [sflag:s0], s1  }
0x198: {  	s1 =	ssub.s32 @!p0 $0x0, s1;
	[sflag:s0] =	ssyncset.done @!p0 $0x0  }
0x199: {  	[sflag:s0] =	ssyncadd.s32 @!p0 s1  }
0x19a: {  	[bflag:$0x3] =	sbarrier.arrive $0xFFFF  }
0x19b: {  	_ =	shalt  }

</sc_bundles>
